<compile_context>
chip_gen: v7x
topology: tpu7x:2x2x1
jax: 0.10.2.dev20260603
libtpu: 0.0.44.dev20260713+nightly
codegen_flags: <defaults>
</compile_context>

<pallas_src>
import jax
import jax.numpy as jnp
from jax.experimental import pallas as pl
from jax.experimental.pallas import tpu as pltpu

G = 256
NIN = 128
NOUT = 128
GO2 = 257


def _conv_body(fc_ref, fp_ref, cc_ref, cp_ref, w05_ref, w68_ref, b_ref, out_ref):
    u = pl.program_id(0)
    fvalid = (u < G).astype(jnp.float32)
    pvalid = (u > 0).astype(jnp.float32)
    fc = fc_ref[0] * fvalid
    fp = fp_ref[0] * pvalid
    cc = cc_ref[0] * fvalid
    cp = cp_ref[0] * pvalid
    P = jnp.dot(fc, w05_ref[...], preferred_element_type=jnp.float32)
    Q = jnp.dot(fp, w68_ref[...], preferred_element_type=jnp.float32)

    z = jnp.zeros((1, NOUT), jnp.float32)
    ext = lambda x: jnp.concatenate([x, z], axis=0)
    sh = lambda x: jnp.concatenate([z, x], axis=0)
    P0, P1, P2 = P[:, 0:128], P[:, 128:256], P[:, 256:384]
    P3, P4, P5 = P[:, 384:512], P[:, 512:640], P[:, 640:768]
    Q6, Q7, Q8 = Q[:, 0:128], Q[:, 128:256], Q[:, 256:384]
    A0 = ext(P0) + sh(P2) + ext(Q6) + sh(Q8)
    A1 = ext(P1) + ext(Q7)
    B0 = ext(P3) + sh(P5)
    B1 = ext(P4)

    zc = jnp.zeros((1, 1), jnp.float32)
    extc = lambda x: jnp.concatenate([x, zc], axis=0)
    shc = lambda x: jnp.concatenate([zc, x], axis=0)
    cA0 = extc(cc) + shc(cc) + extc(cp) + shc(cp)
    cA1 = extc(cc) + extc(cp)
    cB0 = extc(cc) + shc(cc)
    cB1 = extc(cc)

    b = b_ref[...]
    fin = lambda v, c: jnp.where(c > 0, jnp.maximum(v + b, 0.0), 0.0)
    out_ref[0, 0, :, 0, :] = fin(A0, cA0)
    out_ref[0, 0, :, 1, :] = fin(A1, cA1)
    out_ref[0, 1, :, 0, :] = fin(B0, cB0)
    out_ref[0, 1, :, 1, :] = fin(B1, cB1)


def _parity_conv(F3, C3, W05, W68, b2, interpret=False):
    return pl.pallas_call(
        _conv_body,
        grid=(GO2,),
        in_specs=[
            pl.BlockSpec((1, G, NIN), lambda u: (jnp.minimum(u, G - 1), 0, 0)),
            pl.BlockSpec((1, G, NIN), lambda u: (jnp.maximum(u - 1, 0), 0, 0)),
            pl.BlockSpec((1, G, 1), lambda u: (jnp.minimum(u, G - 1), 0, 0)),
            pl.BlockSpec((1, G, 1), lambda u: (jnp.maximum(u - 1, 0), 0, 0)),
            pl.BlockSpec((NIN, 6 * NOUT), lambda u: (0, 0)),
            pl.BlockSpec((NIN, 3 * NOUT), lambda u: (0, 0)),
            pl.BlockSpec((1, NOUT), lambda u: (0, 0)),
        ],
        out_specs=pl.BlockSpec((1, 2, GO2, 2, NOUT), lambda u: (u, 0, 0, 0, 0)),
        out_shape=jax.ShapeDtypeStruct((GO2, 2, GO2, 2, NOUT), jnp.float32),
        interpret=interpret,
    )(F3, F3, C3, C3, W05, W68, b2)


def _scatter_dense_jnp(coords, feats):
    cell = coords // 2
    lin = cell[:, 0] * G + cell[:, 1]
    F = jnp.zeros((G * G, NIN), jnp.float32).at[lin].add(feats)
    C = jnp.zeros((G * G,), jnp.float32).at[lin].add(1.0)
    return F, C


def kernel(coords, feats, W, b, interpret=False):
    F, C = _scatter_dense_jnp(coords, feats)
    F3 = F.reshape(G, G, NIN)
    C3 = C.reshape(G, G, 1)
    W05 = jnp.concatenate([W[k] for k in range(6)], axis=1)
    W68 = jnp.concatenate([W[k] for k in range(6, 9)], axis=1)
    b2 = b.reshape(1, NOUT)
    out5 = _parity_conv(F3, C3, W05, W68, b2, interpret=interpret)
    return out5.reshape((2 * GO2) * (2 * GO2), NOUT)

# --- scband reference (transcript-rebuilt; emitter-appended) ---
"""Pipeline reference for scband-minkowski-safe-deconv-15479062134887 (READ-ONLY COPY).

The authoritative reference and input builder live on the scoring server;
editing this copy changes nothing except your own understanding.
"""

import jax, jax.numpy as jnp
import numpy as np

N = 50000        # number of sparse input points
NIN = 128        # input channels
NOUT = 128       # output channels
K = 3            # kernel_size per spatial dim
GRID_IN = 256    # input coordinate grid extent (before multiplying by stride)
STRIDE = 2       # upsampling stride; input coords are multiples of STRIDE
G_OUT = GRID_IN * STRIDE + 2  # output grid extent (+2 padding so centered offsets stay in-bounds)


def setup_inputs(seed: int = 0) -> dict:
    key = jax.random.key(seed)
    k1, k2, k3, k4 = jax.random.split(key, 4)
    # Sparse coordinates on an even grid (tensor_stride = 2), as in MinkowskiEngine
    coords = jax.random.randint(k1, (N, 2), 0, GRID_IN).astype(jnp.int32) * STRIDE
    feats = jax.random.normal(k2, (N, NIN), dtype=jnp.float32)
    # One [NIN, NOUT] weight matrix per kernel offset (K*K offsets), Kaiming-ish init
    fan = NIN * K * K
    W = jax.random.normal(k3, (K * K, NIN, NOUT), dtype=jnp.float32) * (1.0 / np.sqrt(fan))
    b = jax.random.normal(k4, (NOUT,), dtype=jnp.float32) * 0.01
    return {"coords": coords, "feats": feats, "W": W, "b": b}


def reference(coords, feats, W, b):
    # MinkowskiGenerativeConvolutionTranspose(kernel_size=3, stride=2, dim=2) + bias + MinkowskiReLU.
    # Generative transpose conv: every input point at coordinate c (tensor_stride=2) emits
    # contributions to output coordinates c + off (output tensor_stride=1) for each centered
    # kernel offset off in {-1,0,1}^2, regardless of whether that output coordinate already
    # exists ("generative"). We realize the sparse output on a dense linearized grid via
    # scatter-add; bias + ReLU are applied only to coordinates that were actually generated.
    offsets = jnp.array([[dy, dx] for dy in (-1, 0, 1) for dx in (-1, 0, 1)], dtype=jnp.int32)
    # per-offset messages: [K*K, N, NOUT]
    msgs = jnp.einsum('ni,kio->kno', feats, W)
    out = jnp.zeros((G_OUT * G_OUT, NOUT), dtype=jnp.float32)
    cnt = jnp.zeros((G_OUT * G_OUT,), dtype=jnp.int32)
    for k in range(K * K):
        oc = coords + offsets[k] + 1  # +1 shift keeps all coords non-negative
        lin = oc[:, 0] * G_OUT + oc[:, 1]
        out = out.at[lin].add(msgs[k])
        cnt = cnt.at[lin].add(1)
    active = (cnt > 0)[:, None]
    # bias + ReLU only on generated output coordinates; non-generated cells stay 0
    return jnp.where(active, jax.nn.relu(out + b[None, :]), 0.0)

if __name__ == "__main__":
    import jax
    _d = setup_inputs()
    print(jax.jit(kernel)(*tuple(_d.values())))

</pallas_src>

<mosaic_0001>
module attributes {stable_mosaic.version = 14 : i64} {
  func.func @_conv_body(%arg0: i32, %arg1: memref<1x256x128xf32, #tpu.memory_space<vmem>>, %arg2: memref<1x256x128xf32, #tpu.memory_space<vmem>>, %arg3: memref<1x256x1xf32, #tpu.memory_space<vmem>>, %arg4: memref<1x256x1xf32, #tpu.memory_space<vmem>>, %arg5: memref<128x768xf32, #tpu.memory_space<vmem>>, %arg6: memref<128x384xf32, #tpu.memory_space<vmem>>, %arg7: memref<1x128xf32, #tpu.memory_space<vmem>>, %arg8: memref<1x2x257x2x128xf32, #tpu.memory_space<vmem>>) attributes {dimension_semantics = [#tpu.dimension_semantics<arbitrary>], iteration_bounds = array<i64: 257>, scalar_prefetch = 0 : i64, scratch_operands = 0 : i64, tpu.core_type = #tpu.core_type<tc>, window_params = [{transform_indices = @transform_0, window_bounds = array<i64: 1, 256, 128>}, {transform_indices = @transform_1, window_bounds = array<i64: 1, 256, 128>}, {transform_indices = @transform_2, window_bounds = array<i64: 1, 256, 1>}, {transform_indices = @transform_3, window_bounds = array<i64: 1, 256, 1>}, {pipeline_mode = #tpu.pipeline_mode<synchronous>, transform_indices = @transform_4, window_bounds = array<i64: 128, 768>}, {pipeline_mode = #tpu.pipeline_mode<synchronous>, transform_indices = @transform_5, window_bounds = array<i64: 128, 384>}, {pipeline_mode = #tpu.pipeline_mode<synchronous>, transform_indices = @transform_6, window_bounds = array<i64: 1, 128>}, {transform_indices = @transform_7, window_bounds = array<i64: 1, 2, 257, 2, 128>}]} {
    %lt3A = arith.constant 256 : i32
    %lt3A_0 = arith.cmpi slt, %arg0, %lt3A : i32
    %convert_element_type3A = arith.extui %lt3A_0 : i1 to i32
    %convert_element_type3A_1 = arith.sitofp %convert_element_type3A : i32 to f32
    %gt3A = arith.constant 0 : i32
    %gt3A_2 = arith.cmpi sgt, %arg0, %gt3A : i32
    %convert_element_type3A_3 = arith.extui %gt3A_2 : i1 to i32
    %convert_element_type3A_4 = arith.sitofp %convert_element_type3A_3 : i32 to f32
    %get3A = arith.constant 0 : index
    %get3A_5 = arith.constant 0 : index
    %get3A_6 = arith.constant 0 : index
    %get3A_7 = vector.load %arg1[%get3A, %get3A_5, %get3A_6] : memref<1x256x128xf32, #tpu.memory_space<vmem>>, vector<1x256x128xf32>
    %get3A_8 = vector.shape_cast %get3A_7 : vector<1x256x128xf32> to vector<256x128xf32>
    %mul3A = vector.broadcast %convert_element_type3A_1 : f32 to vector<256x128xf32>
    %mul3A_9 = arith.mulf %get3A_8, %mul3A : vector<256x128xf32>
    %get3A_10 = arith.constant 0 : index
    %get3A_11 = arith.constant 0 : index
    %get3A_12 = arith.constant 0 : index
    %get3A_13 = vector.load %arg2[%get3A_10, %get3A_11, %get3A_12] : memref<1x256x128xf32, #tpu.memory_space<vmem>>, vector<1x256x128xf32>
    %get3A_14 = vector.shape_cast %get3A_13 : vector<1x256x128xf32> to vector<256x128xf32>
    %mul3A_15 = vector.broadcast %convert_element_type3A_4 : f32 to vector<256x128xf32>
    %mul3A_16 = arith.mulf %get3A_14, %mul3A_15 : vector<256x128xf32>
    %get3A_17 = arith.constant 0 : index
    %get3A_18 = arith.constant 0 : index
    %get3A_19 = arith.constant 0 : index
    %get3A_20 = vector.load %arg3[%get3A_17, %get3A_18, %get3A_19] : memref<1x256x1xf32, #tpu.memory_space<vmem>>, vector<1x256x1xf32>
    %get3A_21 = vector.shape_cast %get3A_20 : vector<1x256x1xf32> to vector<256x1xf32>
    %mul3A_22 = vector.broadcast %convert_element_type3A_1 : f32 to vector<256x1xf32>
    %mul3A_23 = arith.mulf %get3A_21, %mul3A_22 : vector<256x1xf32>
    %get3A_24 = arith.constant 0 : index
    %get3A_25 = arith.constant 0 : index
    %get3A_26 = arith.constant 0 : index
    %get3A_27 = vector.load %arg4[%get3A_24, %get3A_25, %get3A_26] : memref<1x256x1xf32, #tpu.memory_space<vmem>>, vector<1x256x1xf32>
    %get3A_28 = vector.shape_cast %get3A_27 : vector<1x256x1xf32> to vector<256x1xf32>
    %mul3A_29 = vector.broadcast %convert_element_type3A_4 : f32 to vector<256x1xf32>
    %mul3A_30 = arith.mulf %get3A_28, %mul3A_29 : vector<256x1xf32>
    %get3A_31 = arith.constant 0 : index
    %get3A_32 = arith.constant 0 : index
    %get3A_33 = vector.load %arg5[%get3A_31, %get3A_32] : memref<128x768xf32, #tpu.memory_space<vmem>>, vector<128x768xf32>
    %dot_general3A = arith.constant dense<0.000000e+00> : vector<256x768xf32>
    %dot_general3A_34 = tpu.matmul %mul3A_9, %get3A_33, %dot_general3A {dimension_numbers = #tpu.dot_dimension_numbers<[1], [0], [0], [1], [0, 0, 1, 1], [], []>, transpose_lhs_hint = false} : vector<256x128xf32>, vector<128x768xf32>, vector<256x768xf32> -> vector<256x768xf32>
    %get3A_35 = arith.constant 0 : index
    %get3A_36 = arith.constant 0 : index
    %get3A_37 = vector.load %arg6[%get3A_35, %get3A_36] : memref<128x384xf32, #tpu.memory_space<vmem>>, vector<128x384xf32>
    %dot_general3A_38 = arith.constant dense<0.000000e+00> : vector<256x384xf32>
    %dot_general3A_39 = tpu.matmul %mul3A_16, %get3A_37, %dot_general3A_38 {dimension_numbers = #tpu.dot_dimension_numbers<[1], [0], [0], [1], [0, 0, 1, 1], [], []>, transpose_lhs_hint = false} : vector<256x128xf32>, vector<128x384xf32>, vector<256x384xf32> -> vector<256x384xf32>
    %broadcast_in_dim3A = arith.constant 0.000000e+00 : f32
    %broadcast_in_dim3A_40 = vector.broadcast %broadcast_in_dim3A : f32 to vector<1x128xf32>
    %slice3A = vector.extract_strided_slice %dot_general3A_34 {offsets = [0, 0], sizes = [256, 128], strides = [1, 1]} : vector<256x768xf32> to vector<256x128xf32>
    %slice3A_41 = vector.extract_strided_slice %dot_general3A_34 {offsets = [0, 128], sizes = [256, 128], strides = [1, 1]} : vector<256x768xf32> to vector<256x128xf32>
    %slice3A_42 = vector.extract_strided_slice %dot_general3A_34 {offsets = [0, 256], sizes = [256, 128], strides = [1, 1]} : vector<256x768xf32> to vector<256x128xf32>
    %slice3A_43 = vector.extract_strided_slice %dot_general3A_34 {offsets = [0, 384], sizes = [256, 128], strides = [1, 1]} : vector<256x768xf32> to vector<256x128xf32>
    %slice3A_44 = vector.extract_strided_slice %dot_general3A_34 {offsets = [0, 512], sizes = [256, 128], strides = [1, 1]} : vector<256x768xf32> to vector<256x128xf32>
    %slice3A_45 = vector.extract_strided_slice %dot_general3A_34 {offsets = [0, 640], sizes = [256, 128], strides = [1, 1]} : vector<256x768xf32> to vector<256x128xf32>
    %slice3A_46 = vector.extract_strided_slice %dot_general3A_39 {offsets = [0, 0], sizes = [256, 128], strides = [1, 1]} : vector<256x384xf32> to vector<256x128xf32>
    %slice3A_47 = vector.extract_strided_slice %dot_general3A_39 {offsets = [0, 128], sizes = [256, 128], strides = [1, 1]} : vector<256x384xf32> to vector<256x128xf32>
    %slice3A_48 = vector.extract_strided_slice %dot_general3A_39 {offsets = [0, 256], sizes = [256, 128], strides = [1, 1]} : vector<256x384xf32> to vector<256x128xf32>
    %concatenate3A = tpu.concatenate %slice3A, %broadcast_in_dim3A_40 in 0 : vector<256x128xf32>, vector<1x128xf32> -> vector<257x128xf32>
    %concatenate3A_49 = tpu.concatenate %broadcast_in_dim3A_40, %slice3A_42 in 0 : vector<1x128xf32>, vector<256x128xf32> -> vector<257x128xf32>
    %add3A = arith.addf %concatenate3A, %concatenate3A_49 : vector<257x128xf32>
    %concatenate3A_50 = tpu.concatenate %slice3A_46, %broadcast_in_dim3A_40 in 0 : vector<256x128xf32>, vector<1x128xf32> -> vector<257x128xf32>
    %add3A_51 = arith.addf %add3A, %concatenate3A_50 : vector<257x128xf32>
    %concatenate3A_52 = tpu.concatenate %broadcast_in_dim3A_40, %slice3A_48 in 0 : vector<1x128xf32>, vector<256x128xf32> -> vector<257x128xf32>
    %add3A_53 = arith.addf %add3A_51, %concatenate3A_52 : vector<257x128xf32>
    %concatenate3A_54 = tpu.concatenate %slice3A_41, %broadcast_in_dim3A_40 in 0 : vector<256x128xf32>, vector<1x128xf32> -> vector<257x128xf32>
    %concatenate3A_55 = tpu.concatenate %slice3A_47, %broadcast_in_dim3A_40 in 0 : vector<256x128xf32>, vector<1x128xf32> -> vector<257x128xf32>
    %add3A_56 = arith.addf %concatenate3A_54, %concatenate3A_55 : vector<257x128xf32>
    %concatenate3A_57 = tpu.concatenate %slice3A_43, %broadcast_in_dim3A_40 in 0 : vector<256x128xf32>, vector<1x128xf32> -> vector<257x128xf32>
    %concatenate3A_58 = tpu.concatenate %broadcast_in_dim3A_40, %slice3A_45 in 0 : vector<1x128xf32>, vector<256x128xf32> -> vector<257x128xf32>
    %add3A_59 = arith.addf %concatenate3A_57, %concatenate3A_58 : vector<257x128xf32>
    %concatenate3A_60 = tpu.concatenate %slice3A_44, %broadcast_in_dim3A_40 in 0 : vector<256x128xf32>, vector<1x128xf32> -> vector<257x128xf32>
    %broadcast_in_dim3A_61 = arith.constant 0.000000e+00 : f32
    %broadcast_in_dim3A_62 = vector.broadcast %broadcast_in_dim3A_61 : f32 to vector<1x1xf32>
    %concatenate3A_63 = tpu.concatenate %mul3A_23, %broadcast_in_dim3A_62 in 0 : vector<256x1xf32>, vector<1x1xf32> -> vector<257x1xf32>
    %concatenate3A_64 = tpu.concatenate %broadcast_in_dim3A_62, %mul3A_23 in 0 : vector<1x1xf32>, vector<256x1xf32> -> vector<257x1xf32>
    %add3A_65 = arith.addf %concatenate3A_63, %concatenate3A_64 : vector<257x1xf32>
    %concatenate3A_66 = tpu.concatenate %mul3A_30, %broadcast_in_dim3A_62 in 0 : vector<256x1xf32>, vector<1x1xf32> -> vector<257x1xf32>
    %add3A_67 = arith.addf %add3A_65, %concatenate3A_66 : vector<257x1xf32>
    %concatenate3A_68 = tpu.concatenate %broadcast_in_dim3A_62, %mul3A_30 in 0 : vector<1x1xf32>, vector<256x1xf32> -> vector<257x1xf32>
    %add3A_69 = arith.addf %add3A_67, %concatenate3A_68 : vector<257x1xf32>
    %concatenate3A_70 = tpu.concatenate %mul3A_23, %broadcast_in_dim3A_62 in 0 : vector<256x1xf32>, vector<1x1xf32> -> vector<257x1xf32>
    %concatenate3A_71 = tpu.concatenate %mul3A_30, %broadcast_in_dim3A_62 in 0 : vector<256x1xf32>, vector<1x1xf32> -> vector<257x1xf32>
    %add3A_72 = arith.addf %concatenate3A_70, %concatenate3A_71 : vector<257x1xf32>
    %concatenate3A_73 = tpu.concatenate %mul3A_23, %broadcast_in_dim3A_62 in 0 : vector<256x1xf32>, vector<1x1xf32> -> vector<257x1xf32>
    %concatenate3A_74 = tpu.concatenate %broadcast_in_dim3A_62, %mul3A_23 in 0 : vector<1x1xf32>, vector<256x1xf32> -> vector<257x1xf32>
    %add3A_75 = arith.addf %concatenate3A_73, %concatenate3A_74 : vector<257x1xf32>
    %concatenate3A_76 = tpu.concatenate %mul3A_23, %broadcast_in_dim3A_62 in 0 : vector<256x1xf32>, vector<1x1xf32> -> vector<257x1xf32>
    %get3A_77 = arith.constant 0 : index
    %get3A_78 = arith.constant 0 : index
    %get3A_79 = vector.load %arg7[%get3A_77, %get3A_78] : memref<1x128xf32, #tpu.memory_space<vmem>>, vector<1x128xf32>
    %gt3A_80 = arith.constant 0.000000e+00 : f32
    %gt3A_81 = vector.broadcast %gt3A_80 : f32 to vector<257x1xf32>
    %gt3A_82 = arith.cmpf ogt, %add3A_69, %gt3A_81 : vector<257x1xf32>
    %add3A_83 = vector.broadcast %get3A_79 : vector<1x128xf32> to vector<257x128xf32>
    %add3A_84 = arith.addf %add3A_53, %add3A_83 : vector<257x128xf32>
    %max3A = arith.constant 0.000000e+00 : f32
    %max3A_85 = vector.broadcast %max3A : f32 to vector<257x128xf32>
    %max3A_86 = arith.maximumf %add3A_84, %max3A_85 : vector<257x128xf32>
    %jit3A = arith.constant 0.000000e+00 : f32
    %broadcast_in_dim3A_87 = vector.shape_cast %gt3A_82 : vector<257x1xi1> to vector<257x1xi1>
    %broadcast_in_dim3A_88 = vector.broadcast %broadcast_in_dim3A_87 : vector<257x1xi1> to vector<257x128xi1>
    %broadcast_in_dim3A_89 = vector.broadcast %jit3A : f32 to vector<257x128xf32>
    %select_n3A = arith.select %broadcast_in_dim3A_88, %max3A_86, %broadcast_in_dim3A_89 : vector<257x128xi1>, vector<257x128xf32>
    %swap3A = arith.constant 0 : index
    %swap3A_90 = arith.constant 0 : index
    %swap3A_91 = arith.constant 0 : index
    %swap3A_92 = arith.constant 0 : index
    %swap3A_93 = arith.constant 0 : index
    %swap3A_94 = vector.load %arg8[%swap3A, %swap3A_90, %swap3A_91, %swap3A_92, %swap3A_93] : memref<1x2x257x2x128xf32, #tpu.memory_space<vmem>>, vector<1x1x257x1x128xf32>
    %swap3A_95 = vector.shape_cast %swap3A_94 : vector<1x1x257x1x128xf32> to vector<257x128xf32>
    %swap3A_96 = vector.shape_cast %select_n3A : vector<257x128xf32> to vector<1x1x257x1x128xf32>
    tpu.vector_store %arg8[%swap3A, %swap3A_90, %swap3A_91, %swap3A_92, %swap3A_93], %swap3A_96 {strides = array<i32>} : memref<1x2x257x2x128xf32, #tpu.memory_space<vmem>>, vector<1x1x257x1x128xf32>,
    %gt3A_97 = arith.constant 0.000000e+00 : f32
    %gt3A_98 = vector.broadcast %gt3A_97 : f32 to vector<257x1xf32>
    %gt3A_99 = arith.cmpf ogt, %add3A_72, %gt3A_98 : vector<257x1xf32>
    %add3A_100 = vector.broadcast %get3A_79 : vector<1x128xf32> to vector<257x128xf32>
    %add3A_101 = arith.addf %add3A_56, %add3A_100 : vector<257x128xf32>
    %max3A_102 = arith.constant 0.000000e+00 : f32
    %max3A_103 = vector.broadcast %max3A_102 : f32 to vector<257x128xf32>
    %max3A_104 = arith.maximumf %add3A_101, %max3A_103 : vector<257x128xf32>
    %jit3A_105 = arith.constant 0.000000e+00 : f32
    %broadcast_in_dim3A_106 = vector.shape_cast %gt3A_99 : vector<257x1xi1> to vector<257x1xi1>
    %broadcast_in_dim3A_107 = vector.broadcast %broadcast_in_dim3A_106 : vector<257x1xi1> to vector<257x128xi1>
    %broadcast_in_dim3A_108 = vector.broadcast %jit3A_105 : f32 to vector<257x128xf32>
    %select_n3A_109 = arith.select %broadcast_in_dim3A_107, %max3A_104, %broadcast_in_dim3A_108 : vector<257x128xi1>, vector<257x128xf32>
    %swap3A_110 = arith.constant 0 : index
    %swap3A_111 = arith.constant 0 : index
    %swap3A_112 = arith.constant 0 : index
    %swap3A_113 = arith.constant 1 : index
    %swap3A_114 = arith.constant 0 : index
    %swap3A_115 = vector.load %arg8[%swap3A_110, %swap3A_111, %swap3A_112, %swap3A_113, %swap3A_114] : memref<1x2x257x2x128xf32, #tpu.memory_space<vmem>>, vector<1x1x257x1x128xf32>
    %swap3A_116 = vector.shape_cast %swap3A_115 : vector<1x1x257x1x128xf32> to vector<257x128xf32>
    %swap3A_117 = vector.shape_cast %select_n3A_109 : vector<257x128xf32> to vector<1x1x257x1x128xf32>
    tpu.vector_store %arg8[%swap3A_110, %swap3A_111, %swap3A_112, %swap3A_113, %swap3A_114], %swap3A_117 {strides = array<i32>} : memref<1x2x257x2x128xf32, #tpu.memory_space<vmem>>, vector<1x1x257x1x128xf32>,
    %gt3A_118 = arith.constant 0.000000e+00 : f32
    %gt3A_119 = vector.broadcast %gt3A_118 : f32 to vector<257x1xf32>
    %gt3A_120 = arith.cmpf ogt, %add3A_75, %gt3A_119 : vector<257x1xf32>
    %add3A_121 = vector.broadcast %get3A_79 : vector<1x128xf32> to vector<257x128xf32>
    %add3A_122 = arith.addf %add3A_59, %add3A_121 : vector<257x128xf32>
    %max3A_123 = arith.constant 0.000000e+00 : f32
    %max3A_124 = vector.broadcast %max3A_123 : f32 to vector<257x128xf32>
    %max3A_125 = arith.maximumf %add3A_122, %max3A_124 : vector<257x128xf32>
    %jit3A_126 = arith.constant 0.000000e+00 : f32
    %broadcast_in_dim3A_127 = vector.shape_cast %gt3A_120 : vector<257x1xi1> to vector<257x1xi1>
    %broadcast_in_dim3A_128 = vector.broadcast %broadcast_in_dim3A_127 : vector<257x1xi1> to vector<257x128xi1>
    %broadcast_in_dim3A_129 = vector.broadcast %jit3A_126 : f32 to vector<257x128xf32>
    %select_n3A_130 = arith.select %broadcast_in_dim3A_128, %max3A_125, %broadcast_in_dim3A_129 : vector<257x128xi1>, vector<257x128xf32>
    %swap3A_131 = arith.constant 0 : index
    %swap3A_132 = arith.constant 1 : index
    %swap3A_133 = arith.constant 0 : index
    %swap3A_134 = arith.constant 0 : index
    %swap3A_135 = arith.constant 0 : index
    %swap3A_136 = vector.load %arg8[%swap3A_131, %swap3A_132, %swap3A_133, %swap3A_134, %swap3A_135] : memref<1x2x257x2x128xf32, #tpu.memory_space<vmem>>, vector<1x1x257x1x128xf32>
    %swap3A_137 = vector.shape_cast %swap3A_136 : vector<1x1x257x1x128xf32> to vector<257x128xf32>
    %swap3A_138 = vector.shape_cast %select_n3A_130 : vector<257x128xf32> to vector<1x1x257x1x128xf32>
    tpu.vector_store %arg8[%swap3A_131, %swap3A_132, %swap3A_133, %swap3A_134, %swap3A_135], %swap3A_138 {strides = array<i32>} : memref<1x2x257x2x128xf32, #tpu.memory_space<vmem>>, vector<1x1x257x1x128xf32>,
    %gt3A_139 = arith.constant 0.000000e+00 : f32
    %gt3A_140 = vector.broadcast %gt3A_139 : f32 to vector<257x1xf32>
    %gt3A_141 = arith.cmpf ogt, %concatenate3A_76, %gt3A_140 : vector<257x1xf32>
    %add3A_142 = vector.broadcast %get3A_79 : vector<1x128xf32> to vector<257x128xf32>
    %add3A_143 = arith.addf %concatenate3A_60, %add3A_142 : vector<257x128xf32>
    %max3A_144 = arith.constant 0.000000e+00 : f32
    %max3A_145 = vector.broadcast %max3A_144 : f32 to vector<257x128xf32>
    %max3A_146 = arith.maximumf %add3A_143, %max3A_145 : vector<257x128xf32>
    %jit3A_147 = arith.constant 0.000000e+00 : f32
    %broadcast_in_dim3A_148 = vector.shape_cast %gt3A_141 : vector<257x1xi1> to vector<257x1xi1>
    %broadcast_in_dim3A_149 = vector.broadcast %broadcast_in_dim3A_148 : vector<257x1xi1> to vector<257x128xi1>
    %broadcast_in_dim3A_150 = vector.broadcast %jit3A_147 : f32 to vector<257x128xf32>
    %select_n3A_151 = arith.select %broadcast_in_dim3A_149, %max3A_146, %broadcast_in_dim3A_150 : vector<257x128xi1>, vector<257x128xf32>
    %swap3A_152 = arith.constant 0 : index
    %swap3A_153 = arith.constant 1 : index
    %swap3A_154 = arith.constant 0 : index
    %swap3A_155 = arith.constant 1 : index
    %swap3A_156 = arith.constant 0 : index
    %swap3A_157 = vector.load %arg8[%swap3A_152, %swap3A_153, %swap3A_154, %swap3A_155, %swap3A_156] : memref<1x2x257x2x128xf32, #tpu.memory_space<vmem>>, vector<1x1x257x1x128xf32>
    %swap3A_158 = vector.shape_cast %swap3A_157 : vector<1x1x257x1x128xf32> to vector<257x128xf32>
    %swap3A_159 = vector.shape_cast %select_n3A_151 : vector<257x128xf32> to vector<1x1x257x1x128xf32>
    tpu.vector_store %arg8[%swap3A_152, %swap3A_153, %swap3A_154, %swap3A_155, %swap3A_156], %swap3A_159 {strides = array<i32>} : memref<1x2x257x2x128xf32, #tpu.memory_space<vmem>>, vector<1x1x257x1x128xf32>,
    return
  }
  func.func @transform_0(%arg0: i32) -> (i32, i32, i32) {
    %min3A = arith.constant 255 : i32
    %min3A_0 = arith.minsi %arg0, %min3A : i32
    %c0_i32 = arith.constant 0 : i32
    %c0_i32_1 = arith.constant 0 : i32
    %c0_i32_2 = arith.constant 0 : i32
    return %min3A_0, %c0_i32, %c0_i32_1 : i32, i32, i32
  }
  func.func @transform_1(%arg0: i32) -> (i32, i32, i32) {
    %sub3A = arith.constant 1 : i32
    %sub3A_0 = arith.subi %arg0, %sub3A : i32
    %max3A = arith.constant 0 : i32
    %max3A_1 = arith.maxsi %sub3A_0, %max3A : i32
    %c0_i32 = arith.constant 0 : i32
    %c0_i32_2 = arith.constant 0 : i32
    %c0_i32_3 = arith.constant 0 : i32
    return %max3A_1, %c0_i32, %c0_i32_2 : i32, i32, i32
  }
  func.func @transform_2(%arg0: i32) -> (i32, i32, i32) {
    %min3A = arith.constant 255 : i32
    %min3A_0 = arith.minsi %arg0, %min3A : i32
    %c0_i32 = arith.constant 0 : i32
    %c0_i32_1 = arith.constant 0 : i32
    %c0_i32_2 = arith.constant 0 : i32
    return %min3A_0, %c0_i32, %c0_i32_1 : i32, i32, i32
  }
  func.func @transform_3(%arg0: i32) -> (i32, i32, i32) {
    %sub3A = arith.constant 1 : i32
    %sub3A_0 = arith.subi %arg0, %sub3A : i32
    %max3A = arith.constant 0 : i32
    %max3A_1 = arith.maxsi %sub3A_0, %max3A : i32
    %c0_i32 = arith.constant 0 : i32
    %c0_i32_2 = arith.constant 0 : i32
    %c0_i32_3 = arith.constant 0 : i32
    return %max3A_1, %c0_i32, %c0_i32_2 : i32, i32, i32
  }
  func.func @transform_4(%arg0: i32) -> (i32, i32) {
    %c0_i32 = arith.constant 0 : i32
    %c0_i32_0 = arith.constant 0 : i32
    %c0_i32_1 = arith.constant 0 : i32
    return %c0_i32, %c0_i32_0 : i32, i32
  }
  func.func @transform_5(%arg0: i32) -> (i32, i32) {
    %c0_i32 = arith.constant 0 : i32
    %c0_i32_0 = arith.constant 0 : i32
    %c0_i32_1 = arith.constant 0 : i32
    return %c0_i32, %c0_i32_0 : i32, i32
  }
  func.func @transform_6(%arg0: i32) -> (i32, i32) {
    %c0_i32 = arith.constant 0 : i32
    %c0_i32_0 = arith.constant 0 : i32
    %c0_i32_1 = arith.constant 0 : i32
    return %c0_i32, %c0_i32_0 : i32, i32
  }
  func.func @transform_7(%arg0: i32) -> (i32, i32, i32, i32, i32) {
    %c0_i32 = arith.constant 0 : i32
    %c0_i32_0 = arith.constant 0 : i32
    %c0_i32_1 = arith.constant 0 : i32
    %c0_i32_2 = arith.constant 0 : i32
    %c0_i32_3 = arith.constant 0 : i32
    return %arg0, %c0_i32, %c0_i32_0, %c0_i32_1, %c0_i32_2 : i32, i32, i32, i32, i32
  }
}

</mosaic_0001>

<sc_bundles>
// kernel: scatter_offload_async_start.1
scs
__scs_entry_jumppad:
0x0: {  	(pc) =	sbr.rel $0x88, $3  }
0x1: {  	(tag) =	ssettag $0x0;
	lr =	simm.s32 $0x1  }
0x2: {  	[smem:$0x3F9D] =	sst lr;
	_ =	strace $0xD0000000  }
0x3: {  	_ = 	snop  }
0x4: {  	_ = 	snop  }
0x5: {  	_ = 	snop  }
0x6: {  	_ = 	snop  }
0x7: {  	_ = 	snop  }
__scs_overlays_trampoline_lowered:
0x8: {  	[smem:$0x3FAC] =	sst s0  }
0x9: {  	[smem:$0x3FAD] =	sst s1  }
0xa: {  	[smem:$0x3FAE] =	sst s2  }
0xb: {  	[smem:$0x3FAF] =	sst s3  }
0xc: {  	[smem:$0x3FB0] =	sst s4  }
0xd: {  	[smem:$0x3FB1] =	sst s5  }
0xe: {  	[smem:$0x3FB2] =	sst s6  }
0xf: {  	[smem:$0x3FB3] =	sst s7  }
0x10: {  	[smem:$0x3FB4] =	sst s8  }
0x11: {  	[smem:$0x3FB5] =	sst s9;
	s0 =	simm.s32 @!p0 $0x0  }
0x12: {  	s1 =	sld [smem:$0x3F9B];
	s0 =	simm.s32 @p0 $0x1  }
0x13: {  	[smem:$0x3FB6] =	sst s0;
	s0 =	simm.s32 @!p1 $0x0  }
0x14: {  	s2 =	sld [smem:$0x3F9A];
	s0 =	simm.s32 @p1 $0x1  }
0x15: {  	[smem:$0x3FB7] =	sst s0;
	s0 =	simm.s32 @!p2 $0x0  }
0x16: {  	s3 =	sld [smem:$0x3FDB];
	s0 =	simm.s32 @p2 $0x1  }
0x17: {  	s4 =	simm.s32 $0x1BF5;
	[smem:$0x3FB9] =	sst s0  }
0x18: {  	s0 =	sld [smem:$0x3F9C];
	_ =	swait.ge [sflag:s4], $0x0  }
0x19: {  	s7 =	sld [smem:$0x3F9D]  }
0x1a: {  	s8 =	sadd.s32 $0xFFFFE003, lr  }
0x1b: {  	s9 =	sadd.s32 $0xFFFFFEF7, lr;
	s5 =	simm.s32 $0xFFFFFFFF;
	p2 =	slt.u32 s8, $0xFFFFF086  }
0x1c: {  	p1 =	slt.u32 s9, $0xF7A;
	s5 =	simm.s32 @!p2 $0x0  }
0x1d: {  	s5 =	simm.s32 @p1 $0x1;
	p0 =	seq.s32 s7, s2  }
0x1e: {  	s7 =	smul.u32 @!p0 $0xF7A, s2;
	p2 =	seq.s32 @!p0 s5, $0x0  }
0x1f: {  	s9 =	smul.u32 $0xF7A, s1;
	s8 =	simm.s32 @!p0 $0x1BF5;
	p2 =	por !p2, p0  }
0x20: {  	[sflag:s8] =	ssyncset.s32 @!p0 $0xFFFFF086;
	s6 =	sadd.s32 @!p0 s3, s7;
	s7 =	simm.s32 @!p0 $0x108  }
0x21: {  	s3 =	sadd.s32 s3, s9;
	s6 =	sadd.s32 @!p0 $0x88, s6;
	s7 =	simm.s32 @p2 $0x1082  }
0x22: {  	[simem:s7], [sflag:s8] =	dma.local @!p0 [hbm:s6], $0xF7A  }
0x23: {  	s9 =	sor.u32 $0xD0000000, s2;
	s6 =	simm.s32 $0x108;
	_ =	swait.ge @!p0 [sflag:s8], $0x0  }
0x24: {  	s3 =	sadd.s32 $0x88, s3;
	s6 =	simm.s32 @!p1 $0x1082;
	[sflag:s4] =	ssyncset.s32 $0xFFFFF086  }
0x25: {  	[simem:s6], [sflag:s4] =	dma.local [hbm:s3], $0xF7A  }
0x26: {  	[smem:$0x3F9D] =	sst s1;
	(tag) =	ssettag s2;
	_ =	strace s9  }
0x27: {  	s1 =	sld [smem:$0x3FAD]  }
0x28: {  	s2 =	sld [smem:$0x3FAE]  }
0x29: {  	s4 =	sld [smem:$0x3FB0]  }
0x2a: {  	p0 =	seq.s32 s5, $0x0;
	s5 =	sld [smem:$0x3FB1]  }
0x2b: {  	s6 =	sld [smem:$0x3FB2]  }
0x2c: {  	s7 =	sld [smem:$0x3FB3]  }
0x2d: {  	s3 =	simm.s32 $0x108;
	s8 =	sld [smem:$0x3FB4]  }
0x2e: {  	s3 =	simm.s32 @!p0 $0x1082;
	s9 =	sld [smem:$0x3FB5]  }
0x2f: {  	lr =	sadd.s32 s0, s3;
	s0 =	sld [smem:$0x3FAC]  }
0x30: {  	s3 =	sld [smem:$0x3FAF]  }
0x31: {  	[smem:$0x3FB8] =	sst s10  }
0x32: {  	s10 =	sld [smem:$0x3FB6];
	_ =	sdelay $0x3  }
0x33: {  	p0 =	seq.s32 s10, $0x1;
	s10 =	sld [smem:$0x3FB8];
	_ =	sdelay $0x3  }
0x34: {  	[smem:$0x3FB8] =	sst s10  }
0x35: {  	s10 =	sld [smem:$0x3FB7];
	_ =	sdelay $0x3  }
0x36: {  	p1 =	seq.s32 s10, $0x1;
	s10 =	sld [smem:$0x3FB8];
	_ =	sdelay $0x3  }
0x37: {  	[smem:$0x3FB8] =	sst s10  }
0x38: {  	s10 =	sld [smem:$0x3FB9]  }
0x39: {  	_ = 	snop;
	(pc) =	sbr.ind lr, $3  }
0x3a: {  	_ = 	snop  }
0x3b: {  	_ = 	snop  }
0x3c: {  	p2 =	seq.s32 s10, $0x1;
	s10 =	sld [smem:$0x3FB8]  }
0x3d: {  	_ =	shalt  }
0x3e: {  	_ =	shalt  }
0x3f: {  	_ =	shalt  }
0x40: {  	_ =	shalt  }
0x41: {  	_ =	shalt  }
0x42: {  	_ =	shalt  }
0x43: {  	_ =	shalt  }
0x44: {  	_ =	shalt  }
0x45: {  	_ =	shalt  }
0x46: {  	_ =	shalt  }
0x47: {  	_ =	shalt  }
0x48: {  	_ =	shalt  }
0x49: {  	_ =	shalt  }
0x4a: {  	_ =	shalt  }
0x4b: {  	_ =	shalt  }
0x4c: {  	_ =	shalt  }
0x4d: {  	_ =	shalt  }
0x4e: {  	_ =	shalt  }
0x4f: {  	_ =	shalt  }
0x50: {  	_ =	shalt  }
0x51: {  	_ =	shalt  }
0x52: {  	_ =	shalt  }
0x53: {  	_ =	shalt  }
0x54: {  	_ =	shalt  }
0x55: {  	_ =	shalt  }
0x56: {  	_ =	shalt  }
0x57: {  	_ =	shalt  }
0x58: {  	_ =	shalt  }
0x59: {  	_ =	shalt  }
0x5a: {  	_ =	shalt  }
0x5b: {  	_ =	shalt  }
0x5c: {  	_ =	shalt  }
0x5d: {  	_ =	shalt  }
0x5e: {  	_ =	shalt  }
0x5f: {  	_ =	shalt  }
0x60: {  	_ =	shalt  }
0x61: {  	_ =	shalt  }
0x62: {  	_ =	shalt  }
0x63: {  	_ =	shalt  }
0x64: {  	_ =	shalt  }
0x65: {  	_ =	shalt  }
0x66: {  	_ =	shalt  }
0x67: {  	_ =	shalt  }
0x68: {  	_ =	shalt  }
0x69: {  	_ =	shalt  }
0x6a: {  	_ =	shalt  }
0x6b: {  	_ =	shalt  }
0x6c: {  	_ =	shalt  }
0x6d: {  	_ =	shalt  }
0x6e: {  	_ =	shalt  }
0x6f: {  	_ =	shalt  }
0x70: {  	_ =	shalt  }
0x71: {  	_ =	shalt  }
0x72: {  	_ =	shalt  }
0x73: {  	_ =	shalt  }
0x74: {  	_ =	shalt  }
0x75: {  	_ =	shalt  }
0x76: {  	_ =	shalt  }
0x77: {  	_ =	shalt  }
0x78: {  	_ =	shalt  }
0x79: {  	_ =	shalt  }
0x7a: {  	_ =	shalt  }
0x7b: {  	_ =	shalt  }
0x7c: {  	_ =	shalt  }
0x7d: {  	_ =	shalt  }
0x7e: {  	_ =	shalt  }
0x7f: {  	_ =	shalt  }
0x80: {  	_ =	shalt  }
0x81: {  	_ =	shalt  }
0x82: {  	_ =	shalt  }
0x83: {  	_ =	shalt  }
0x84: {  	_ =	shalt  }
0x85: {  	_ =	shalt  }
0x86: {  	_ =	shalt  }
0x87: {  	_ =	shalt  }
.Lfunc_end0:
.L_simem_size_0:
called_computation.1_lowered:
.L_overlay_start_0:
0x88: {  	s0 =	sld [smem:$0x3FD9]  }
0x89: {  	s1 =	sld [smem:$0x3FFE];
	_ =	sdelay $0x3  }
0x8a: {  	s0 =	sadd.s32 s1, s0  }
0x8b: {  	[smem:$0x3FC4] =	sst s0  }
0x8c: {  	_ = 	snop  }
0x8d: {  	(tm) =	ssettm $0x1  }
0x8e: {  	s15 =	sld [smem:$0x3FFB];
	_ =	sdelay $0x3  }
0x8f: {  	_ =	strace s15  }
0x90: {  	s0 =	sld [smem:$0x3FFC];
	_ =	sdelay $0x3  }
0x91: {  	_ =	strace s0  }
0x92: {  	s0 =	sld [smem:$0x3FFD];
	_ =	sdelay $0x3  }
0x93: {  	_ =	strace s0  }
0x94: {  	_ =	strace $0x8FFFFFFF  }
0x95: {  	s16 =	sld [smem:$0x3FDB];
	_ =	sdelay $0x1  }
0x96: {  	s17 =	simm.s32 $_scs_section_size  }
0x97: {  	s2 =	simm.s32 $_size__tile_overlayer_lowered;
	s3 =	simm.s32 $_tile_overlayer_lowered  }
0x98: {  	s20 =	simm.s32 $0x1BFF;
	s19 =	sshll.u32 s3, $0x1;
	s0 =	sadd.s32 s17, s16  }
0x99: {  	s4 =	simm.s32 $0x0;
	s18 =	sshll.u32 s2, $0x1;
	s2 =	sadd.s32 s19, s0  }
0x9a: {  	[timem:s4], [sflag:s20] =	dma.local [hbm:s2], s18  }
0x9b: {  	_ =	swait.ge [sflag:s20], s18  }
0x9c: {  	s1 =	ssub.s32 $0x0, s18;
	[sflag:s20] =	ssyncset.done $0x0  }
0x9d: {  	[sflag:s20] =	ssyncadd.s32 s1;
	_ =	sdelay $0x1  }
0x9e: {  	s21 =	simm.s32 $0x1B8B  }
0x9f: {  	_ =	swait.ge [sflag:s21], $0x1  }
0xa0: {  	[sflag:s21] =	ssyncset.done $0x0  }
0xa1: {  	s23 =	simm.s32 $0x1B8E;
	s22 =	sld [smem:$0x3FFE];
	[sflag:s21] =	ssyncadd.s32 $0xFFFFFFFF  }
0xa2: {  	s24 =	simm.s32 $execute0_lowered;
	[smem:$0x3FD2] =	sst s23  }
0xa3: {  	s2 =	sshll.u32 s24, $0x1;
	_ =	strace $0x80000046;
	[dreg:$0x1] =	wrdreg $0xFFFFFFFF  }
0xa4: {  	s25 =	simm.s32 $_size_execute0_lowered;
	s0 =	sadd.s32 s0, s2;
	[dreg:$0x0] =	wrdreg $0x0  }
0xa5: {  	s2 =	sshll.u32 s25, $0x1;
	[dreg:$0x2] =	wrdreg s0  }
0xa6: {  	[dreg:$0x3] =	wrdreg s2  }
0xa7: {  	[dreg:$0x4] =	wrdreg $0xC0  }
0xa8: {  	_ =	task [dreg:s4], $0x5FFFF  }
0xa9: {  	[dreg:$0x1] =	wrdreg $0xFFFFFFFF  }
0xaa: {  	[dreg:$0x0] =	wrdreg $0x60  }
0xab: {  	[dreg:$0x2] =	wrdreg s22  }
0xac: {  	[dreg:$0x3] =	wrdreg $0xA  }
0xad: {  	_ =	task.clear_ibuf [dreg:s4], $0x4FFFF;
	_ =	strace $0x90000046  }
0xae: {  	s26 =	simm.s32 $0xA;
	_ =	strace $0x80000048  }
0xaf: {  	_ =	swait.ge [sflag:s26], $0x1  }
0xb0: {  	[sflag:s26] =	ssyncadd.s32 $0xFFFFFFFF  }
0xb1: {  	_ =	strace $0x90000048  }
0xb2: {  	_ =	sfence  }
0xb3: {  	s28 =	sld [smem:$0x0];
	_ =	sdelay $0x1  }
0xb4: {  	s29 =	srdreg.scid  }
0xb5: {  	s30 =	sshll.u32 s29, $0xD;
	s31 =	sshrl.u32 s29, $0x2  }
0xb6: {  	s1 =	sand.u32 $0x1, s29;
	s2 =	sand.u32 $0x4000, s30;
	s0 =	sadd.s32 s31, s28  }
0xb7: {  	s1 =	sor.u32 s2, s1;
	s0 =	sshll.u32 s0, $0x11  }
0xb8: {  	s0 =	sor.u32 s0, s1  }
0xb9: {  	s0 =	sadd.s32 $0x8F2B, s0  }
0xba: {  	[sflag:s0] =	ssyncadd.remote.s32 $0x1  }
0xbb: {  	_ =	sfence.sel $0xFFFF  }
0xbc: {  	[dreg:$0x0] =	wrdreg $0xFFFFFFFF;
	(pc) =	sbr.abs _section_cstart, $3  }
0xbd: {  	[dreg:$0x1] =	wrdreg $0xFFFFFFFF  }
0xbe: {  	_ =	task.clear_ibuf [dreg:s4], $0x2FFFF;
	_ =	strace $0x9FFFFFFF  }
0xbf: {  	(tm) =	ssettm $0x7FFFFFFF  }
tec
execute0_lowered:
.L_overlay_start_1:
0x0: {  	(tag) =	ssettag $0x1  }
0x1: {  	s3 =	stileid.u32  }
0x2: {  	s6 =	rddreg [dreg:$0x0];
	_ =	strace $0x80000047;
	s0 =	smin.u32 s3, $0x9  }
0x3: {  	s2 =	simm.s32 $0x1;
	p0 =	slt.u32 s3, $0x9;
	s0 =	sadd.s32 s3, s0  }
0x4: {  	v1 =	vimm.s32 $0xFFFFFFFF;
	[sflag:s2] =	ssyncpa.u1 $0x0;
	s4 =	smul.u32 $0x7D0, s0;
	s0 =	simm.s32 $0xFA0  }
0x5: {  	[tilespmem:$0x10] =	vst v1;
	s0 =	simm.s32 @!p0 $0x7D0  }
0x6: {  	v0 =	vimm.f32 $0.0e+00;
	[tilespmem:$0x20] =	vst v1;
	s0 =	sadd.s32 s0, s4  }
0x7: {  	[tilespmem:$0x30] =	vst v0;
	s5 =	smin.u32 s0, $0xC350  }
0x8: {  	[tilespmem:$0x40] =	vst v0;
	s0 =	ssub.s32 s5, s4  }
0x9: {  	[tilespmem:$0x50] =	vst v0;
	p0 =	sgt.s32 s0, $0x0  }
0xa: {  	s7 =	simm.s32 $0x2;
	s8 =	simm.s32 $0x8;
	[tilespmem:$0x60] =	vst v1;
	s0 =	simm.s32 @!p0 $0x0  }
0xb: {  	s31 =	simm.s32 $0x9;
	s16 =	simm.s32 $0x0;
	[tilespmem:$0x70] =	vst v1;
	s1 =	sand.u32 $0xFFF0, s0  }
0xc: {  	s17 =	simm.s32 $0xF0;
	s18 =	simm.s32 $0xFFFFFFFF;
	[tilespmem:$0x80] =	vst v1;
	s1 =	sshrl.u32 s1, $0x4  }
0xd: {  	s19 =	simm.s32 $0xFFFFF160;
	s20 =	simm.s32 $0xFFFFFFFE;
	v1 =	vimm.s32 $0x0;
	[tilespmem:$0xB0] =	vst v0;
	s1 =	smul.u32 $0x1063, s1  }
0xe: {  	s21 =	simm.s32 $0xF;
	s25 =	simm.s32 $0x0;
	s24 =	simm.s32 $0x0;
	[tilespmem:$0x90] =	vst v1  }
0xf: {  	[tilespmem:$0xA0] =	vst v1;
	[sflag:s7] =	ssyncpa.u1 $0x0;
	s7 =	simm.s32 $0x7;
	s9 =	sshrl.u32 s1, $0x13  }
0x10: {  	s14 =	sshllo.u32 s3, $0x1;
	[sflag:s7] =	ssyncpa.u1 $0x0;
	s10 =	smul.u32 $0x7D0, s9  }
.Ltmp0:
0x11: {  	[sflag:s8] =	ssyncpa.u1 $0x0;
	s23 =	smov.u32 s4;
	(pc) =	sbr.rel .LBB2_1-.Ltmp0, $4  }
0x12: {  	[sflag:s31] =	ssyncpa.u1 $0x0;
	s1 =	sadd.s32 $0x6800, s6;
	p0 =	sne.s32 s0, s10  }
0x13: {  	s6 =	sadd.s32 $0x1A00, s6;
	s10 =	sshll.u32 s3, $0x1;
	s2 =	simm.s32 @!p0 $0x0  }
0x14: {  	vm0 =	vmmov $0xffff;
	v2 =	vlaneseq.u32;
	s13 =	sor.u32 $0x81, s10;
	s15 =	sor.u32 $0x80, s10;
	s9 =	sadd.s32 s9, s2  }
0x15: {  	vm1 =	vmxor vm1, vm1;
	vm2 =	vmmov $0x1;
	vm3 =	vcmask $0x3F3C;
	p0 =	por $0x0, $0x0;
	s11 =	sadd.s32 $0x1, s9;
	s12 =	sadd.s32 $0x2, s9  }
.LBB2_9:
0x16: {  	p1 =	slt.u32 s24, $0x3  }
0x17: {  	s0 =	simm.s32 @!p1 $0x2  }
0x18: {  	_ =	swait.ge @!p1 [sflag:s0], $0x7D0  }
0x19: {  	[sflag:s0] =	ssyncset.done @!p1 $0x0  }
0x1a: {  	[sflag:s0] =	ssyncadd.s32 @!p1 $0xFFFFF830;
	s0 =	simm.s32 @!p1 $0x9  }
0x1b: {  	_ =	swait.ge @!p1 [sflag:s0], $0x10  }
0x1c: {  	[sflag:s0] =	ssyncset.done @!p1 $0x0  }
0x1d: {  	[sflag:s0] =	ssyncadd.s32 @!p1 $0xFFFFFFF0;
	p1 =	sne.s32 s24, s12  }
.Ltmp1:
0x1e: {  	s2 =	sadd.s32 $0x7D0, s23;
	(pc) =	sbr.rel @!p1 .LBB2_10-.Ltmp1, $4  }
0x1f: {  	s3 =	smov.u32 s4;
	s31 =	sadd.s32 $0x1, s24;
	s17 =	sadd.s32 $0x7D0, s17  }
0x20: {  	s18 =	sadd.s32 $0x1, s18;
	s25 =	smov.u32 s23;
	p2 =	slt.s32 s2, s5  }
0x21: {  	p0 =	por !p0, !p0;
	s19 =	sadd.s32 $0x7D0, s19;
	s3 =	smov.u32 @p2 s2  }
0x22: {  	s20 =	sadd.s32 $0x1, s20;
	s23 =	smov.u32 s3;
	s24 =	smov.u32 s31  }
.LBB2_1:
0x23: {  	p1 =	sge.u32 s24, s9  }
0x24: {  	s0 =	smulhi.u32 @!p1 $0xAAAAAAAB, s24;
	_ =	sdelay $0x1  }
0x25: {  	s0 =	sshrl.u32 @!p1 s0, $0x1  }
0x26: {  	s0 =	smul.u32 @!p1 $0x3, s0;
	_ =	sdelay $0x1  }
0x27: {  	s0 =	ssub.s32 @!p1 s24, s0  }
0x28: {  	s0 =	smul.u32 @!p1 $0x1F40, s0;
	_ =	sdelay $0x1  }
0x29: {  	s3 =	rddreg [dreg:$0x0];
	s2 =	sshrl.u32 @!p1 s23, $0x3;
	s0 =	sshrl.u32 @!p1 s0, $0x2  }
0x2a: {  	s22 =	sand.u32 @!p1 $0x7, s23;
	s2 =	sadd.s32 @!p1 s3, s2;
	s0 =	sadd.s32 @!p1 $0x100, s0  }
0x2b: {  	[tilespmem:s0], [sflag:$0x7] =	stream.linear.gather @!p1 [hbm4b:s2+s22], $0x7D0, $0x38;
	[tilespmem:$0x4770] =	vst v63  }
0x2c: {  	s0 =	sadd.s32 $0xFFFFFFFF, s24  }
0x2d: {  	p1 =	sge.u32 s0, s9  }
.Ltmp2:
0x2e: {  	_ = 	snop;
	(pc) =	sbr.rel @p1 .LBB2_5-.Ltmp2, $1  }
0x2f: {  	_ =	sdelay $0x3  }
0x30: {  	s2 =	smulhi.u32 $0xAAAAAAAB, s0;
	_ =	sdelay $0x1  }
0x31: {  	s2 =	sshrl.u32 s2, $0x1  }
0x32: {  	s2 =	smul.u32 $0x3, s2;
	_ =	sdelay $0x1  }
0x33: {  	s2 =	ssub.s32 s0, s2  }
0x34: {  	s2 =	smul.u32 $0x1F40, s2  }
0x35: {  	_ =	swait.ge [sflag:s7], $0x7D0  }
0x36: {  	[sflag:s7] =	ssyncset.done $0x0;
	s2 =	sshrl.u32 s2, $0x2  }
0x37: {  	[sflag:s7] =	ssyncadd.s32 $0xFFFFF830;
	(ifvalue) =	ssetifvalue $0xFFFFFFFF;
	v3 =	vld.msk [tilespmem:s2+$0x100 ss:$0x1], $0xffff;
	_ =	sdelay $0x2  }
0x38: {  	s30 =	smulhi.u32 $0xAAAAAAAB, s18;
	p1 =	sne.s32 s24, $0x1  }
0x39: {  	v4 =	vimm.s32 @!p1 $0x0  }
0x3a: {  	s2 =	sshrl.u32 s30, $0x1;
	v4 =	vperm.xlane @!p1 v3, v4  }
0x3b: {  	s22 =	sshll.u32 s24, $0x4;
	s2 =	smul.u32 $0xFFFFA240, s2;
	vm4 =	vlt.u32 v3, $0x10000  }
0x3c: {  	s22 =	sand.u32 $0x10, s22;
	v3 =	vnsel vm4, $0xFFFFFFFE, v3;
	vm4 =	vlt.u32 @!p1 v4, $0x10000  }
0x3d: {  	s2 =	sshra.s32 s2, $0x2;
	[tilespmem:s22+$0x60] =	vst v3;
	v3 =	vnsel @!p1 vm4, $0xFFFFFFFE, v4  }
0x3e: {  	s28 =	sadd.s32 s2, s17;
	[tilespmem:$0x80] =	vst @!p1 v3  }
0x3f: {  	v3 =	vld.msk [tilespmem:s28+$0x0 ss:$0x1], $0xffff;
	_ =	sdelay $0x4  }
0x40: {  	(xrf1) =	vunique.msk.u32 $0xffff, v3;
	_ =	sdelay $0xd  }
0x41: {  	v4 =	vimm.s32 $0xFFFFFFFF;
	v5, _, _ =	vpop (xrf1)  }
0x42: {  	vm5 =	vne.s32 v3, v4;
	vm4 =	veq.s32 v5, v2  }
0x43: {  	vm6 =	vlt.u32 v3, $0x10000;
	vm4 =	vmand vm5, vm4  }
0x44: {  	vm4 =	vmand vm6, vm4  }
0x45: {  	v4 =	vnsel vm4, $0xFFFFFFFF, v3  }
0x46: {  	s31 =	sand.u32 $0x1, s0  }
0x47: {  	s0 =	simm.s32 $0x7D0;
	p1 =	seq.s32 s31, $0x1  }
0x48: {  	s0 =	simm.s32 @!p1 $0x0  }
0x49: {  	s26 =	sadd.s32 $0x2030, s0;
	(ifvalue) =	ssetifvalue $0xFFFFFFFF  }
0x4a: {  	v3 =	vperm.xlane v3, v1;
	[tilespmem:s26], [sflag:$0x8] =	stream.indirect_vreg.gather [hbm4b:s1+s16], $0x1, v4, vm0, $0x4038;
	v4 =	vnsel vm6, $0xFFFFFFFE, v4;
	[tilespmem:$0x4770] =	vst v63  }
0x4b: {  	s2 =	simm.s32 $0x0;
	s22 =	sadd.s32 $0xFFFFFFF0, s28;
	[tilespmem:s28+$0x0] =	vst v4  }
.LBB2_3:
0x4c: {  	v4 =	vld.msk [tilespmem:s22+$0x0 ss:$0x1], $0xffff;
	s2 =	sadd.s32 $0x10, s2;
	v5 =	vmov v3;
	s28 =	smov.u32 s22  }
0x4d: {  	p1 =	slt.u32 s2, $0x7C0;
	_ =	sdelay $0x4  }
0x4e: {  	v3 =	vperm.xlane v4, v1;
	(xrf1) =	vunique.msk.u32 $0xffff, v4;
	_ =	sdelay $0xd  }
0x4f: {  	v6, _, _ =	vpop (xrf1)  }
0x50: {  	vm5 =	vne.s32 v4, v5;
	vm4 =	veq.s32 v6, v2  }
0x51: {  	vm6 =	vlt.u32 v4, $0x10000;
	vm4 =	vmand vm5, vm4  }
0x52: {  	vm4 =	vmand vm6, vm4  }
0x53: {  	v4 =	vnsel vm4, $0xFFFFFFFF, v4  }
.Ltmp3:
0x54: {  	v5 =	vnsel vm6, $0xFFFFFFFE, v4;
	(pc) =	sbr.rel @p1 .LBB2_3-.Ltmp3, $3  }
0x55: {  	_ =	sdelay $0x1  }
0x56: {  	s22 =	sadd.s32 $0xFFFFFFF0, s22;
	s26 =	sadd.s32 $0xFFFFFFF0, s26;
	(ifvalue) =	ssetifvalue $0xFFFFFFFF  }
0x57: {  	[tilespmem:s26], [sflag:$0x8] =	stream.indirect_vreg.gather [hbm4b:s1+s16], $0x1, v4, vm0, $0x4038;
	[tilespmem:s28+$0x0] =	vst v5  }
0x58: {  	s2 =	sshrl.u32 s25, $0x3  }
0x59: {  	s0 =	sadd.s32 $0x2810, s0;
	s2 =	sadd.s32 s6, s2  }
0x5a: {  	[tilespmem:s0], [sflag:$0x8] =	stream.linear.gather [hbm:s2], $0x7D0, $0x38;
	[tilespmem:$0x4770] =	vst v63  }
.LBB2_5:
0x5b: {  	p1 =	slt.u32 s24, $0x2  }
0x5c: {  	p2 =	sge.u32 @!p1 s24, s12  }
0x5d: {  	p1 =	por p1, p2  }
.Ltmp4:
0x5e: {  	_ = 	snop;
	(pc) =	sbr.rel @p1 .LBB2_9-.Ltmp4, $1  }
0x5f: {  	_ =	sdelay $0x3  }
0x60: {  	s0 =	sadd.s32 $0xFFFFFFFE, s24  }
0x61: {  	s2 =	smulhi.u32 $0xAAAAAAAB, s0;
	_ =	sdelay $0x1  }
0x62: {  	s2 =	sshrl.u32 s2, $0x1  }
0x63: {  	s2 =	smul.u32 $0x3, s2;
	_ =	sdelay $0x1  }
0x64: {  	s0 =	ssub.s32 s0, s2  }
0x65: {  	_ =	swait.ge [sflag:s8], $0xFA0;
	s0 =	smul.u32 $0x7D0, s0  }
0x66: {  	p1 =	sne.s32 s24, s11;
	[sflag:s8] =	ssyncset.done $0x0  }
0x67: {  	[sflag:s8] =	ssyncadd.s32 $0xFFFFF060;
	s2 =	sadd.s32 @!p1 $0x8CF, s0  }
0x68: {  	[spmem:s13] =	stream.linear.scatter @!p1 [tilespmem:s2], [sflag:$0x1], $0x1, $0x38;
	[tilespmem:$0x4770] =	vst v63  }
0x69: {  	s2 =	simm.s32 @!p1 $0x1  }
0x6a: {  	_ =	swait.ge @!p1 [sflag:s2], $0x1  }
0x6b: {  	s22 =	sshll.u32 s24, $0x4;
	[sflag:s2] =	ssyncset.done @!p1 $0x0  }
0x6c: {  	s25 =	sand.u32 $0x10, s22;
	[sflag:s2] =	ssyncadd.s32 @!p1 $0xFFFFFFFF  }
0x6d: {  	s2 =	sxor.u32 $0x10, s25;
	v4 =	vld [tilespmem:s25+$0x10]  }
0x6e: {  	v5 =	vld [tilespmem:s2+$0x60]  }
0x6f: {  	v3 =	vld [tilespmem:$0x80];
	_ =	sdelay $0x2  }
0x70: {  	(v2sf) =	vpush v4, $0x0  }
0x71: {  	(v2sf) =	vpush v5, $0x0  }
0x72: {  	(v2sf) =	vpush v3, $0x0;
	_ =	sdelay $0xc  }
0x73: {  	s3 =	spop (v2sf)  }
0x74: {  	s28 =	spop (v2sf)  }
0x75: {  	s26 =	spop (v2sf)  }
0x76: {  	p2 =	seq.s32 s3, s28;
	p3 =	seq.s32 s26, s3  }
0x77: {  	p3 =	por p2, p3  }
0x78: {  	s3 =	sand.u32 $0x1, s24;
	v4 =	vpsel p3, $0xFFFFFFFF, v4  }
0x79: {  	s28 =	smul.u32 $0x7D0, s3;
	[tilespmem:s25+$0x10] =	vst.msk $0x1, v4  }
0x7a: {  	v4 =	vld [tilespmem:$0x30]  }
0x7b: {  	v5 =	vld [tilespmem:s28+$0x2810]  }
0x7c: {  	v6 =	vld [tilespmem:s25+$0x40];
	_ =	sdelay $0x3  }
0x7d: {  	vm4 =	vmmov vm1;
	v5 =	vadd.f32 v5, v4  }
0x7e: {  	vm5 =	vmmov vm2;
	vm4 =	vmmov @p2 vm2;
	v4 =	vadd.f32 v6, v4  }
0x7f: {  	s22 =	sshll.u32 s3, $0x4;
	vm5 =	vmmov @p3 vm1;
	[tilespmem:s28+$0x2810] =	vst.msk vm4, v5  }
0x80: {  	[tilespmem:s22+$0x4750] =	vst.msk vm5, v4  }
0x81: {  	v4 =	vld [tilespmem:s28+$0x2030];
	_ =	sdelay $0x3  }
0x82: {  	v5 =	vimm.f32 $0.0e+00  }
0x83: {  	v4 =	vshift.insert v4, v5, s21  }
0x84: {  	s29 =	sor.u32 $0x40, s2  }
0x85: {  	[tilespmem:s29+$0x0] =	vst.msk $0x1, v4  }
0x86: {  	[tilespmem:s28+$0x203F] =	vst.msk $0x1, v5  }
0x87: {  	v4 =	vld [tilespmem:s0+$0x8C0];
	_ =	sdelay $0x1  }
0x88: {  	s29 =	smulhi.u32 $0xAAAAAAAB, s20;
	s0 =	simm.s32 $0x1  }
0x89: {  	s0 =	simm.s32 @!p0 $0x0  }
0x8a: {  	s29 =	sshrl.u32 s29, $0x1;
	s0 =	smul.u32 $0x1F40, s0  }
0x8b: {  	s29 =	smul.u32 $0xFFFFA240, s29;
	v4 =	vshift.insert v4, v1, s21  }
0x8c: {  	s0 =	sshrl.u32 s0, $0x2  }
0x8d: {  	s29 =	sshra.s32 s29, $0x2;
	s30 =	sadd.s32 $0x2810, s0;
	[tilespmem:s2+$0x10] =	vst.msk $0x1, v4  }
0x8e: {  	s3 =	sadd.s32 s29, s19;
	v6 =	vld [tilespmem:s30+$0x0]  }
0x8f: {  	v7 =	vld [tilespmem:s3+$0x0];
	_ =	sdelay $0x3  }
0x90: {  	v5 =	vadd.f32 v6, v5  }
0x91: {  	vm4 =	vne.s32 v7, $0xFFFFFFFF  }
0x92: {  	(xrf2) =	vadd.seg.scan.f32 vm4, v5;
	_ =	sdelay $0x3  }
0x93: {  	s31 =	sadd.s32 $0x1870, s0;
	v5 =	vperm.xlane v4, v1  }
0x94: {  	v6 =	vld [tilespmem:s31+$0x0]  }
0x95: {  	vm5 =	veq.s32 v7, v3;
	vm6 =	veq.s32 v7, v5  }
0x96: {  	vm7 =	vgt.u32 v7, $0xFFFFFFFD;
	vm6 =	vmor vm6, vm5  }
0x97: {  	vm6 =	vmor vm6, vm7  }
0x98: {  	v9 =	vld [tilespmem:$0xA0];
	v7 =	vsel vm6, $0xFFFFFFFF, v7  }
0x99: {  	v10 =	vld [tilespmem:$0x90];
	v6 =	vsel vm5, $0x0, v6;
	v8, _, _ =	vpop (xrf2)  }
0x9a: {  	v6 =	vadd.f32 v8, v6  }
0x9b: {  	s0 =	sadd.s32 $0x37B0, s0  }
0x9c: {  	vm4 =	vmand vm4, vm3;
	[tilespmem:s0+$0x0] =	vst v6;
	(ifvalue) =	ssetifvalue $0xFFFFFFFF  }
0x9d: {  	vm6 =	veq.s32 v9, $0x1;
	[hbm4b:s1+s16] =	stream.indirect_vreg.scatter [tilespmem:s0], [sflag:$0x2], $0x1, v7, vm0, $0x4038;
	v7 =	vsel vm4, $0x0, v8;
	[tilespmem:$0x4770] =	vst v63  }
0x9e: {  	s29 =	sadd.s32 $0x4750, s22;
	s22 =	sadd.s32 $0x10, s3;
	s2 =	simm.s32 $0x0;
	vm4 =	vmor vm6, vm5;
	v6 =	vsel vm5, v8, v10;
	v7 =	vshift.insert v7, v0, s21  }
.LBB2_7:
0x9f: {  	v8 =	vld [tilespmem:s22+$0x0];
	s30 =	sadd.s32 $0x10, s30  }
0xa0: {  	s31 =	sadd.s32 $0x10, s31;
	v9 =	vld [tilespmem:s30+$0x0]  }
0xa1: {  	s2 =	sadd.s32 $0x10, s2;
	v10 =	vld [tilespmem:s31+$0x0]  }
0xa2: {  	p2 =	slt.u32 s2, $0x7C0;
	_ =	sdelay $0x2  }
0xa3: {  	v7 =	vadd.f32 v9, v7  }
0xa4: {  	vm5 =	vne.s32 v8, $0xFFFFFFFF  }
0xa5: {  	vm6 =	vmand vm5, vm3;
	(xrf2) =	vadd.seg.scan.f32 vm5, v7;
	_ =	sdelay $0x5  }
0xa6: {  	vm7 =	veq.s32 v8, v5;
	vm5 =	veq.s32 v8, v3  }
0xa7: {  	vm8 =	vgt.u32 v8, $0xFFFFFFFD;
	vm4 =	vmor vm4, vm5;
	vm7 =	vmor vm7, vm5  }
0xa8: {  	vm7 =	vmor vm7, vm8  }
0xa9: {  	v8 =	vsel vm7, $0xFFFFFFFF, v8  }
.Ltmp5:
0xaa: {  	v7 =	vsel vm5, $0x0, v10;
	v9, _, _ =	vpop (xrf2);
	(pc) =	sbr.rel @p2 .LBB2_7-.Ltmp5, $4  }
0xab: {  	v6 =	vsel vm5, v9, v6;
	v10 =	vadd.f32 v9, v7;
	v7 =	vsel vm6, $0x0, v9  }
0xac: {  	s0 =	sadd.s32 $0x10, s0;
	v7 =	vshift.insert v7, v0, s21  }
0xad: {  	s22 =	sadd.s32 $0x10, s22;
	[tilespmem:s0+$0x0] =	vst v10;
	(ifvalue) =	ssetifvalue $0xFFFFFFFF  }
0xae: {  	[hbm4b:s1+s16] =	stream.indirect_vreg.scatter [tilespmem:s0], [sflag:$0x2], $0x1, v8, vm0, $0x4038;
	[tilespmem:$0x4770] =	vst v63  }
0xaf: {  	v3 =	vld [tilespmem:s28+$0x3F70];
	_ =	sdelay $0x4  }
0xb0: {  	v3 =	vshift.insert v3, v0, s21  }
0xb1: {  	s0 =	simm.s32 $0x30  }
0xb2: {  	[tilespmem:s0+$0x0] =	vst.msk $0x1, v3  }
0xb3: {  	v3 =	vsel vm4, $0x1, v1;
	[tilespmem:$0x90] =	vst v6  }
0xb4: {  	s0 =	sadd.s32 @!p1 $0x3F7F, s28;
	[tilespmem:$0xA0] =	vst v3  }
0xb5: {  	[spmem:s14] =	stream.linear.scatter @!p1 [tilespmem:s0], [sflag:$0x1], $0x1, $0x38;
	[tilespmem:$0x4770] =	vst v63  }
0xb6: {  	s0 =	simm.s32 @!p1 $0x1  }
0xb7: {  	v3 =	vmctz.xlane @!p1 vm4;
	_ =	swait.ge @!p1 [sflag:s0], $0x1  }
0xb8: {  	(v2sf) =	vpush @!p1 v4, $0x0  }
0xb9: {  	(v2sf) =	vpush @!p1 v3, $0x0;
	_ =	sdelay $0xd  }
0xba: {  	s2 =	spop @!p1 (v2sf)  }
0xbb: {  	s3 =	spop @!p1 (v2sf)  }
0xbc: {  	p2 =	sne.s32 @!p1 s26, s2;
	p3 =	slt.s32 @!p1 s3, $0xF  }
0xbd: {  	[sflag:s0] =	ssyncset.done @!p1 $0x0;
	p2 =	por p2, p1;
	p3 =	por !p3, p1  }
0xbe: {  	[sflag:s0] =	ssyncadd.s32 @!p1 $0xFFFFFFFF;
	v3 =	vimm.s32 @!p2 $0xFFFFFFFF;
	s3 =	simm.s32 @p3 $0xF  }
0xbf: {  	[tilespmem:$0x80] =	vst @!p2 v3;
	s2 =	sadd.s32 @!p1 $0x90, s3  }
0xc0: {  	[spmem:s10] =	stream.linear.scatter @!p1 [tilespmem:s2], [sflag:$0x1], $0x1, $0x38;
	[tilespmem:$0x4770] =	vst v63  }
0xc1: {  	_ =	swait.ge @!p1 [sflag:s0], $0x1  }
0xc2: {  	[sflag:s0] =	ssyncset.done @!p1 $0x0  }
0xc3: {  	s2 =	simm.s32 @!p1 $0x80;
	[sflag:s0] =	ssyncadd.s32 @!p1 $0xFFFFFFFF  }
0xc4: {  	[spmem:s15] =	stream.linear.scatter @!p1 [tilespmem:s2], [sflag:$0x1], $0x1, $0x38;
	[tilespmem:$0x4770] =	vst v63  }
0xc5: {  	_ =	swait.ge @!p1 [sflag:s0], $0x1  }
0xc6: {  	[sflag:s0] =	ssyncset.done @!p1 $0x0  }
0xc7: {  	[sflag:s0] =	ssyncadd.s32 @!p1 $0xFFFFFFFF;
	(ifvalue) =	ssetifvalue $0xFFFFFFFF;
	v3 =	vld [tilespmem:s25+$0x10];
	_ =	sdelay $0x3  }
.Ltmp6:
0xc8: {  	_ = 	snop;
	(pc) =	sbr.rel .LBB2_9-.Ltmp6, $3  }
0xc9: {  	_ =	sdelay $0x1  }
0xca: {  	(ifvalue) =	ssetifvalue $0xFFFFFFFF  }
0xcb: {  	[hbm4b:s1+s16] =	stream.indirect_vreg.scatter [tilespmem:s29], [sflag:$0x9], $0x1, v3, vm0, $0x4038;
	[tilespmem:$0x4770] =	vst v63  }
.LBB2_10:
0xcc: {  	_ =	sfence.sel $0x180000  }
0xcd: {  	s0 =	simm.s32 $0x7;
	[bflag:$0x0] =	sbarrier.arrive $0xFFFF  }
0xce: {  	s26 =	simm.s32 $0x8;
	[sflag:s0] =	ssyncpa.u1 $0x1  }
0xcf: {  	s28 =	simm.s32 $0x9;
	[sflag:s26] =	ssyncpa.u1 $0x1  }
0xd0: {  	[sflag:s28] =	ssyncpa.u1 $0x1  }
0xd1: {  	_ =	sfence.stream.spmem  }
0xd2: {  	s29 =	simm.s32 $0x3;
	[bflag:$0x0] =	sbarrier.arrive $0xFFFF  }
0xd3: {  	s30 =	simm.s32 $0x4;
	[sflag:s29] =	ssyncpa.u1 $0x1  }
0xd4: {  	s31 =	simm.s32 $0x3C;
	s2 =	stileid.u32;
	[sflag:s30] =	ssyncpa.u1 $0x1  }
0xd5: {  	p0 =	sne.s32 s2, $0x0;
	[sflag:s31] =	ssyncpa.u1 $0x1  }
0xd6: {  	s0 =	simm.s32 @p0 $0x1;
	_ =	sfence @p0  }
0xd7: {  	[sflag:s0] =	ssyncpa.u1 @p0 $0x1;
	s0 =	simm.s32 @p0 $0x2  }
0xd8: {  	[sflag:s0] =	ssyncpa.u1 @p0 $0x1  }
0xd9: {  	_ =	strace @p0 $0x90000047  }
0xda: {  	[bflag:$0x2] =	sbarrier.arrive @p0 $0xFFFF  }
0xdb: {  	_ =	shalt @p0  }
.LBB2_11:
0xdc: {  	_ =	sfence.stream.spmem;
	s0 =	simm.s32 $0x5  }
0xdd: {  	s2 =	simm.s32 $0x80;
	s3 =	simm.s32 $0xC0;
	[sflag:s0] =	ssyncpa.u1 $0x0  }
0xde: {  	[tilespmem:s3], [sflag:$0x5] =	stream.linear.gather [spmem:s2], $0x20, $0x38;
	[tilespmem:$0x4770] =	vst v63  }
0xdf: {  	s2 =	simm.s32 $0x0;
	s3 =	simm.s32 $0xE0  }
0xe0: {  	[tilespmem:s3], [sflag:$0x5] =	stream.linear.gather [spmem:s2], $0x20, $0x38;
	[tilespmem:$0x4770] =	vst v63  }
.Ltmp7:
0xe1: {  	_ = 	snop;
	(pc) =	sbr.rel .LBB2_12-.Ltmp7, $4  }
0xe2: {  	_ =	swait.ge [sflag:s0], $0x40  }
0xe3: {  	[sflag:s0] =	ssyncset.done $0x0  }
0xe4: {  	s31 =	simm.s32 $0x6;
	[sflag:s0] =	ssyncadd.s32 $0xFFFFFFC0  }
0xe5: {  	s4 =	simm.s32 $0x0;
	[sflag:s31] =	ssyncpa.u1 $0x0  }
.LBB2_17:
0xe6: {  	p0 =	sgt.u32 s5, $0xFFFF  }
0xe7: {  	s0 =	sshrl.u32 @!p0 s5, $0x3  }
0xe8: {  	s5 =	sand.u32 @!p0 $0x7, s5;
	s6 =	simm.s32 @!p0 $0xB0;
	s0 =	sadd.s32 @!p0 s1, s0  }
0xe9: {  	[tilespmem:s6], [sflag:$0x6] =	stream.linear.gather @!p0 [hbm4b:s0+s5], $0x1, $0x38;
	[tilespmem:$0x4770] =	vst v63  }
0xea: {  	s0 =	simm.s32 @!p0 $0x6  }
0xeb: {  	_ =	swait.ge @!p0 [sflag:s0], $0x1  }
0xec: {  	[sflag:s0] =	ssyncset.done @!p0 $0x0  }
0xed: {  	[sflag:s0] =	ssyncadd.s32 @!p0 $0xFFFFFFFF  }
0xee: {  	v2 =	vmov @!p0 s4;
	v1 =	vld.msk @!p0 [tilespmem:$0xB0], $0x1;
	_ =	sdelay $0x3  }
0xef: {  	s0 =	simm.s32 @!p0 $0xE0  }
0xf0: {  	[tilespmem:v2+s0+$0x0], v1 =	vst.idx.ret.add.f32.msk @!p0 $0x1, v1  }
0xf1: {  	[tilespmem:s2+$0xC0] =	vst.msk $0x1, v0  }
0xf2: {  	v0 =	vld.msk [tilespmem:s4+$0xE0], $0x1;
	_ =	sdelay $0x4  }
0xf3: {  	[tilespmem:s2+$0xE0] =	vst.msk $0x1, v0;
	s2 =	sadd.s32 $0x1, s2  }
.LBB2_19:
0xf4: {  	s4 =	sadd.s32 $0x1, s4  }
0xf5: {  	p0 =	sne.s32 s4, $0x20  }
.Ltmp8:
0xf6: {  	_ = 	snop;
	(pc) =	sbr.rel @!p0 .LBB2_20-.Ltmp8, $1  }
0xf7: {  	_ =	sdelay $0x3  }
.LBB2_12:
0xf8: {  	v0 =	vld.msk [tilespmem:s4+$0xC0], $0x1;
	_ =	sdelay $0x4  }
0xf9: {  	(v2sf) =	vpush v0, $0x0;
	_ =	sdelay $0xe  }
0xfa: {  	s5 =	spop (v2sf)  }
0xfb: {  	p0 =	seq.s32 s5, $0xFFFFFFFF  }
.Ltmp9:
0xfc: {  	_ = 	snop;
	(pc) =	sbr.rel @p0 .LBB2_19-.Ltmp9, $1  }
0xfd: {  	_ =	sdelay $0x3  }
0xfe: {  	p0 =	slt.s32 s2, $0x1  }
.Ltmp10:
0xff: {  	_ = 	snop;
	(pc) =	sbr.rel @p0 .LBB2_17-.Ltmp10, $1  }
0x100: {  	_ =	sdelay $0x3  }
0x101: {  	s0 =	simm.s32 $0xC0;
	p0 =	por $0x0, $0x0  }
0x102: {  	v1 =	vld.msk @!p0 [tilespmem:s0+$0x0], $0x1;
	_ =	sdelay $0x4  }
0x103: {  	(v2sf) =	vpush @!p0 v1, $0x0;
	_ =	sdelay $0xd  }
0x104: {  	p2 =	sne.s32 s2, $0x1  }
.Ltmp11:
0x105: {  	s6 =	spop @!p0 (v2sf);
	(pc) =	sbr.rel @!p2 .LBB2_16-.Ltmp11, $4  }
0x106: {  	p1 =	seq.s32 @!p0 s5, s6  }
0x107: {  	s6 =	simm.s32 $0x0;
	p1 =	por !p1, p0  }
0x108: {  	s8 =	simm.s32 $0xFFFFFFFF;
	s6 =	simm.s32 @p1 $0xFFFFFFFF  }
0x109: {  	s7 =	simm.s32 $0x1;
	s6 =	smov.u32 @p0 s8  }
.LBB2_15:
0x10a: {  	s8 =	smov.u32 s6;
	p0 =	sne.s32 s6, $0xFFFFFFFF  }
0x10b: {  	s0 =	sadd.s32 $0x1, s0;
	s6 =	smov.u32 s7;
	s7 =	sadd.s32 $0x1, s7  }
0x10c: {  	p1 =	sne.s32 s2, s7;
	v1 =	vld.msk @!p0 [tilespmem:s0+$0x0], $0x1;
	_ =	sdelay $0x4  }
0x10d: {  	(v2sf) =	vpush @!p0 v1, $0x0;
	_ =	sdelay $0xe  }
.Ltmp12:
0x10e: {  	s9 =	spop @!p0 (v2sf);
	(pc) =	sbr.rel @p1 .LBB2_15-.Ltmp12, $4  }
0x10f: {  	p2 =	seq.s32 @!p0 s5, s9  }
0x110: {  	p2 =	por !p2, p0  }
0x111: {  	s6 =	simm.s32 @p2 $0xFFFFFFFF  }
0x112: {  	s6 =	smov.u32 @p0 s8  }
.LBB2_16:
0x113: {  	p0 =	sne.s32 s6, $0xFFFFFFFF  }
.Ltmp13:
0x114: {  	_ = 	snop;
	(pc) =	sbr.rel @!p0 .LBB2_17-.Ltmp13, $1  }
0x115: {  	_ =	sdelay $0x3  }
0x116: {  	v0 =	vld.msk [tilespmem:s4+$0xE0], $0x1;
	v1 =	vmov s6  }
.Ltmp14:
0x117: {  	_ = 	snop;
	(pc) =	sbr.rel .LBB2_19-.Ltmp14, $2  }
0x118: {  	_ =	sdelay $0x2  }
0x119: {  	[tilespmem:v1+s3+$0x0], v0 =	vst.idx.ret.add.f32.msk $0x1, v0  }
.LBB2_20:
0x11a: {  	p0 =	slt.s32 s2, $0x1  }
.Ltmp15:
0x11b: {  	_ = 	snop;
	(pc) =	sbr.rel @p0 .LBB2_24-.Ltmp15, $3  }
0x11c: {  	_ =	sdelay $0x1  }
0x11d: {  	s0 =	simm.s32 $0x6  }
0x11e: {  	s3 =	simm.s32 $0x0;
	[sflag:s0] =	ssyncpa.u1 $0x1  }
0x11f: {  	s0 =	simm.s32 $0xC0  }
0x120: {  	v0 =	vld.msk [tilespmem:s0+$0x0], $0x1;
	_ =	sdelay $0x4  }
0x121: {  	(v2sf) =	vpush v0, $0x0;
	_ =	sdelay $0xe  }
0x122: {  	s2 =	sadd.s32 $0xFFFFFFFF, s2;
	s4 =	spop (v2sf)  }
0x123: {  	p1 =	sne.s32 s2, $0x0;
	p0 =	sgt.u32 s4, $0xFFFF  }
.Ltmp16:
0x124: {  	s5 =	sshrl.u32 @!p0 s4, $0x3;
	(pc) =	sbr.rel @!p1 .LBB2_23-.Ltmp16, $4  }
0x125: {  	s0 =	simm.s32 $0xE0;
	s4 =	sand.u32 @!p0 $0x7, s4;
	s5 =	sadd.s32 @!p0 s1, s5  }
0x126: {  	[hbm4b:s5+s4] =	stream.linear.scatter @!p0 [tilespmem:s0], [sflag:$0x5], $0x1, $0x38;
	[tilespmem:$0x4770] =	vst v63  }
0x127: {  	s5 =	simm.s32 $0x0  }
0x128: {  	s4 =	simm.s32 $0xC1;
	s5 =	simm.s32 @!p0 $0x4  }
.LBB2_22:
0x129: {  	v0 =	vld.msk [tilespmem:s4+$0x0], $0x1;
	s2 =	sadd.s32 $0xFFFFFFFF, s2;
	s3 =	sadd.s32 s3, s5  }
0x12a: {  	p0 =	sne.s32 s2, $0x0;
	_ =	sdelay $0x3  }
0x12b: {  	(v2sf) =	vpush v0, $0x0;
	_ =	sdelay $0xe  }
.Ltmp17:
0x12c: {  	s6 =	spop (v2sf);
	(pc) =	sbr.rel @p0 .LBB2_22-.Ltmp17, $4  }
0x12d: {  	s5 =	simm.s32 $0x0;
	p1 =	sgt.u32 s6, $0xFFFF  }
0x12e: {  	s0 =	sadd.s32 $0x1, s0;
	s5 =	simm.s32 @!p1 $0x4;
	s7 =	sshrl.u32 @!p1 s6, $0x3  }
0x12f: {  	s4 =	sadd.s32 $0x1, s4;
	s6 =	sand.u32 @!p1 $0x7, s6;
	s7 =	sadd.s32 @!p1 s1, s7  }
0x130: {  	[hbm4b:s7+s6] =	stream.linear.scatter @!p1 [tilespmem:s0], [sflag:$0x5], $0x1, $0x38;
	[tilespmem:$0x4770] =	vst v63  }
.LBB2_23:
0x131: {  	s0 =	sadd.s32 s3, s5  }
0x132: {  	s3 =	sshrl.u32 s0, $0x2  }
.LBB2_24:
0x133: {  	s0 =	simm.s32 $0x5  }
0x134: {  	_ =	swait.ge [sflag:s0], s3  }
0x135: {  	s1 =	ssub.s32 $0x0, s3;
	[sflag:s0] =	ssyncset.done $0x0  }
0x136: {  	[sflag:s0] =	ssyncadd.s32 s1  }
0x137: {  	[sflag:s0] =	ssyncpa.u1 $0x1  }
0x138: {  	s29 =	simm.s32 $0x1;
	_ =	sfence  }
0x139: {  	s30 =	simm.s32 $0x2;
	[sflag:s29] =	ssyncpa.u1 $0x1  }
0x13a: {  	[sflag:s30] =	ssyncpa.u1 $0x1  }
0x13b: {  	_ =	strace $0x90000047  }
0x13c: {  	[bflag:$0x2] =	sbarrier.arrive $0xFFFF  }
0x13d: {  	s31 =	rddreg [dreg:$0x1]  }
0x13e: {  	s0 =	sadd.s32 $0x100000, s31  }
0x13f: {  	[sflag:s0] =	ssyncadd.tile.s32 $0x1;
	_ =	shalt  }
.Lfunc_end2:
_tile_overlayer_lowered:
.L_overlay_start_2:
0x140: {  	(tag) =	ssettag $0x2  }
0x141: {  	s0 =	rddreg [dreg:$0x0];
	s2 =	stileid.u32  }
0x142: {  	s1 =	rddreg [dreg:$0x1];
	p0 =	sne.s32 s2, $0x0  }
0x143: {  	s3 =	rddreg [dreg:$0x2];
	[bflag:$0x3] =	sbarrier.arrive $0xFFFF;
	s2 =	simm.s32 @!p0 $0x1C01  }
0x144: {  	[timem:s3], [sflag:s2] =	dma.local @!p0 [hbm:s0], s1  }
0x145: {  	s0 =	simm.s32 @!p0 $0x1  }
0x146: {  	_ =	swait.ge @!p0 [sflag:s0], s1  }
0x147: {  	s1 =	ssub.s32 @!p0 $0x0, s1;
	[sflag:s0] =	ssyncset.done @!p0 $0x0  }
0x148: {  	[sflag:s0] =	ssyncadd.s32 @!p0 s1  }
0x149: {  	[bflag:$0x3] =	sbarrier.arrive $0xFFFF  }
0x14a: {  	_ =	shalt  }

// kernel: scatter_offload_async_start
scs
__scs_entry_jumppad:
0x0: {  	(pc) =	sbr.rel $0x88, $3  }
0x1: {  	(tag) =	ssettag $0x0;
	lr =	simm.s32 $0x1  }
0x2: {  	[smem:$0x3F9D] =	sst lr;
	_ =	strace $0xD0000000  }
0x3: {  	_ = 	snop  }
0x4: {  	_ = 	snop  }
0x5: {  	_ = 	snop  }
0x6: {  	_ = 	snop  }
0x7: {  	_ = 	snop  }
__scs_overlays_trampoline_lowered:
0x8: {  	[smem:$0x3FAC] =	sst s0  }
0x9: {  	[smem:$0x3FAD] =	sst s1  }
0xa: {  	[smem:$0x3FAE] =	sst s2  }
0xb: {  	[smem:$0x3FAF] =	sst s3  }
0xc: {  	[smem:$0x3FB0] =	sst s4  }
0xd: {  	[smem:$0x3FB1] =	sst s5  }
0xe: {  	[smem:$0x3FB2] =	sst s6  }
0xf: {  	[smem:$0x3FB3] =	sst s7  }
0x10: {  	[smem:$0x3FB4] =	sst s8  }
0x11: {  	[smem:$0x3FB5] =	sst s9;
	s0 =	simm.s32 @!p0 $0x0  }
0x12: {  	s1 =	sld [smem:$0x3F9B];
	s0 =	simm.s32 @p0 $0x1  }
0x13: {  	[smem:$0x3FB6] =	sst s0;
	s0 =	simm.s32 @!p1 $0x0  }
0x14: {  	s2 =	sld [smem:$0x3F9A];
	s0 =	simm.s32 @p1 $0x1  }
0x15: {  	[smem:$0x3FB7] =	sst s0;
	s0 =	simm.s32 @!p2 $0x0  }
0x16: {  	s3 =	sld [smem:$0x3FDB];
	s0 =	simm.s32 @p2 $0x1  }
0x17: {  	s4 =	simm.s32 $0x1BF5;
	[smem:$0x3FB9] =	sst s0  }
0x18: {  	s0 =	sld [smem:$0x3F9C];
	_ =	swait.ge [sflag:s4], $0x0  }
0x19: {  	s7 =	sld [smem:$0x3F9D]  }
0x1a: {  	s8 =	sadd.s32 $0xFFFFE003, lr  }
0x1b: {  	s9 =	sadd.s32 $0xFFFFFEF7, lr;
	s5 =	simm.s32 $0xFFFFFFFF;
	p2 =	slt.u32 s8, $0xFFFFF086  }
0x1c: {  	p1 =	slt.u32 s9, $0xF7A;
	s5 =	simm.s32 @!p2 $0x0  }
0x1d: {  	s5 =	simm.s32 @p1 $0x1;
	p0 =	seq.s32 s7, s2  }
0x1e: {  	s7 =	smul.u32 @!p0 $0xF7A, s2;
	p2 =	seq.s32 @!p0 s5, $0x0  }
0x1f: {  	s9 =	smul.u32 $0xF7A, s1;
	s8 =	simm.s32 @!p0 $0x1BF5;
	p2 =	por !p2, p0  }
0x20: {  	[sflag:s8] =	ssyncset.s32 @!p0 $0xFFFFF086;
	s6 =	sadd.s32 @!p0 s3, s7;
	s7 =	simm.s32 @!p0 $0x108  }
0x21: {  	s3 =	sadd.s32 s3, s9;
	s6 =	sadd.s32 @!p0 $0x88, s6;
	s7 =	simm.s32 @p2 $0x1082  }
0x22: {  	[simem:s7], [sflag:s8] =	dma.local @!p0 [hbm:s6], $0xF7A  }
0x23: {  	s9 =	sor.u32 $0xD0000000, s2;
	s6 =	simm.s32 $0x108;
	_ =	swait.ge @!p0 [sflag:s8], $0x0  }
0x24: {  	s3 =	sadd.s32 $0x88, s3;
	s6 =	simm.s32 @!p1 $0x1082;
	[sflag:s4] =	ssyncset.s32 $0xFFFFF086  }
0x25: {  	[simem:s6], [sflag:s4] =	dma.local [hbm:s3], $0xF7A  }
0x26: {  	[smem:$0x3F9D] =	sst s1;
	(tag) =	ssettag s2;
	_ =	strace s9  }
0x27: {  	s1 =	sld [smem:$0x3FAD]  }
0x28: {  	s2 =	sld [smem:$0x3FAE]  }
0x29: {  	s4 =	sld [smem:$0x3FB0]  }
0x2a: {  	p0 =	seq.s32 s5, $0x0;
	s5 =	sld [smem:$0x3FB1]  }
0x2b: {  	s6 =	sld [smem:$0x3FB2]  }
0x2c: {  	s7 =	sld [smem:$0x3FB3]  }
0x2d: {  	s3 =	simm.s32 $0x108;
	s8 =	sld [smem:$0x3FB4]  }
0x2e: {  	s3 =	simm.s32 @!p0 $0x1082;
	s9 =	sld [smem:$0x3FB5]  }
0x2f: {  	lr =	sadd.s32 s0, s3;
	s0 =	sld [smem:$0x3FAC]  }
0x30: {  	s3 =	sld [smem:$0x3FAF]  }
0x31: {  	[smem:$0x3FB8] =	sst s10  }
0x32: {  	s10 =	sld [smem:$0x3FB6];
	_ =	sdelay $0x3  }
0x33: {  	p0 =	seq.s32 s10, $0x1;
	s10 =	sld [smem:$0x3FB8];
	_ =	sdelay $0x3  }
0x34: {  	[smem:$0x3FB8] =	sst s10  }
0x35: {  	s10 =	sld [smem:$0x3FB7];
	_ =	sdelay $0x3  }
0x36: {  	p1 =	seq.s32 s10, $0x1;
	s10 =	sld [smem:$0x3FB8];
	_ =	sdelay $0x3  }
0x37: {  	[smem:$0x3FB8] =	sst s10  }
0x38: {  	s10 =	sld [smem:$0x3FB9]  }
0x39: {  	_ = 	snop;
	(pc) =	sbr.ind lr, $3  }
0x3a: {  	_ = 	snop  }
0x3b: {  	_ = 	snop  }
0x3c: {  	p2 =	seq.s32 s10, $0x1;
	s10 =	sld [smem:$0x3FB8]  }
0x3d: {  	_ =	shalt  }
0x3e: {  	_ =	shalt  }
0x3f: {  	_ =	shalt  }
0x40: {  	_ =	shalt  }
0x41: {  	_ =	shalt  }
0x42: {  	_ =	shalt  }
0x43: {  	_ =	shalt  }
0x44: {  	_ =	shalt  }
0x45: {  	_ =	shalt  }
0x46: {  	_ =	shalt  }
0x47: {  	_ =	shalt  }
0x48: {  	_ =	shalt  }
0x49: {  	_ =	shalt  }
0x4a: {  	_ =	shalt  }
0x4b: {  	_ =	shalt  }
0x4c: {  	_ =	shalt  }
0x4d: {  	_ =	shalt  }
0x4e: {  	_ =	shalt  }
0x4f: {  	_ =	shalt  }
0x50: {  	_ =	shalt  }
0x51: {  	_ =	shalt  }
0x52: {  	_ =	shalt  }
0x53: {  	_ =	shalt  }
0x54: {  	_ =	shalt  }
0x55: {  	_ =	shalt  }
0x56: {  	_ =	shalt  }
0x57: {  	_ =	shalt  }
0x58: {  	_ =	shalt  }
0x59: {  	_ =	shalt  }
0x5a: {  	_ =	shalt  }
0x5b: {  	_ =	shalt  }
0x5c: {  	_ =	shalt  }
0x5d: {  	_ =	shalt  }
0x5e: {  	_ =	shalt  }
0x5f: {  	_ =	shalt  }
0x60: {  	_ =	shalt  }
0x61: {  	_ =	shalt  }
0x62: {  	_ =	shalt  }
0x63: {  	_ =	shalt  }
0x64: {  	_ =	shalt  }
0x65: {  	_ =	shalt  }
0x66: {  	_ =	shalt  }
0x67: {  	_ =	shalt  }
0x68: {  	_ =	shalt  }
0x69: {  	_ =	shalt  }
0x6a: {  	_ =	shalt  }
0x6b: {  	_ =	shalt  }
0x6c: {  	_ =	shalt  }
0x6d: {  	_ =	shalt  }
0x6e: {  	_ =	shalt  }
0x6f: {  	_ =	shalt  }
0x70: {  	_ =	shalt  }
0x71: {  	_ =	shalt  }
0x72: {  	_ =	shalt  }
0x73: {  	_ =	shalt  }
0x74: {  	_ =	shalt  }
0x75: {  	_ =	shalt  }
0x76: {  	_ =	shalt  }
0x77: {  	_ =	shalt  }
0x78: {  	_ =	shalt  }
0x79: {  	_ =	shalt  }
0x7a: {  	_ =	shalt  }
0x7b: {  	_ =	shalt  }
0x7c: {  	_ =	shalt  }
0x7d: {  	_ =	shalt  }
0x7e: {  	_ =	shalt  }
0x7f: {  	_ =	shalt  }
0x80: {  	_ =	shalt  }
0x81: {  	_ =	shalt  }
0x82: {  	_ =	shalt  }
0x83: {  	_ =	shalt  }
0x84: {  	_ =	shalt  }
0x85: {  	_ =	shalt  }
0x86: {  	_ =	shalt  }
0x87: {  	_ =	shalt  }
.Lfunc_end0:
.L_simem_size_0:
called_computation_lowered:
.L_overlay_start_0:
0x88: {  	s0 =	sld [smem:$0x3FD9]  }
0x89: {  	s1 =	sld [smem:$0x3FFE];
	_ =	sdelay $0x3  }
0x8a: {  	s0 =	sadd.s32 s1, s0  }
0x8b: {  	[smem:$0x3FC4] =	sst s0  }
0x8c: {  	_ = 	snop  }
0x8d: {  	s0 =	sld [smem:$0x3FC8]  }
0x8e: {  	s16 =	sld [smem:$0x3FD0];
	(tm) =	ssettm $0x1  }
0x8f: {  	s2 =	sld [smem:$0x3FFB];
	_ =	sdelay $0x3  }
0x90: {  	_ =	strace s2  }
0x91: {  	s2 =	sld [smem:$0x3FFC];
	_ =	sdelay $0x3  }
0x92: {  	_ =	strace s2  }
0x93: {  	s2 =	sld [smem:$0x3FFD];
	_ =	sdelay $0x3  }
0x94: {  	_ =	strace s2  }
0x95: {  	_ =	strace $0x8FFFFFFF  }
0x96: {  	s17 =	sld [smem:$0x3FDB];
	_ =	sdelay $0x1  }
0x97: {  	s3 =	simm.s32 $_scs_section_size  }
0x98: {  	s4 =	simm.s32 $_size__tile_overlayer_lowered;
	s5 =	simm.s32 $_tile_overlayer_lowered  }
0x99: {  	s20 =	simm.s32 $0x1BFF;
	s19 =	sshll.u32 s5, $0x1;
	s2 =	sadd.s32 s3, s17  }
0x9a: {  	s6 =	simm.s32 $0x0;
	s18 =	sshll.u32 s4, $0x1;
	s4 =	sadd.s32 s19, s2  }
0x9b: {  	[timem:s6], [sflag:s20] =	dma.local [hbm:s4], s18  }
0x9c: {  	_ =	swait.ge [sflag:s20], s18  }
0x9d: {  	s3 =	ssub.s32 $0x0, s18;
	[sflag:s20] =	ssyncset.done $0x0  }
0x9e: {  	[sflag:s20] =	ssyncadd.s32 s3;
	_ =	sdelay $0x1  }
0x9f: {  	s21 =	simm.s32 $0x1B8B  }
0xa0: {  	_ =	swait.ge [sflag:s21], $0x1  }
0xa1: {  	[sflag:s21] =	ssyncset.done $0x0  }
0xa2: {  	s23 =	simm.s32 $0x1B8E;
	s22 =	sld [smem:$0x3FFE];
	[sflag:s21] =	ssyncadd.s32 $0xFFFFFFFF  }
0xa3: {  	s24 =	simm.s32 $execute0_lowered;
	[smem:$0x3FD2] =	sst s23  }
0xa4: {  	s4 =	sshll.u32 s24, $0x1;
	_ =	strace $0x80000049;
	[dreg:$0x1] =	wrdreg $0xFFFFFFFF  }
0xa5: {  	s25 =	simm.s32 $_size_execute0_lowered;
	s2 =	sadd.s32 s2, s4;
	[dreg:$0x0] =	wrdreg $0x0  }
0xa6: {  	s4 =	sshll.u32 s25, $0x1;
	[dreg:$0x2] =	wrdreg s2  }
0xa7: {  	[dreg:$0x3] =	wrdreg s4  }
0xa8: {  	[dreg:$0x4] =	wrdreg $0xC0  }
0xa9: {  	_ =	task [dreg:s6], $0x5FFFF  }
0xaa: {  	[dreg:$0x1] =	wrdreg $0xFFFFFFFF  }
0xab: {  	[dreg:$0x0] =	wrdreg $0x60  }
0xac: {  	[dreg:$0x2] =	wrdreg s16  }
0xad: {  	[dreg:$0x3] =	wrdreg s22  }
0xae: {  	[dreg:$0x4] =	wrdreg s0  }
0xaf: {  	[dreg:$0x5] =	wrdreg $0x9  }
0xb0: {  	_ =	task.clear_ibuf [dreg:s6], $0x6FFFF;
	_ =	strace $0x90000049  }
0xb1: {  	s26 =	simm.s32 $0x9;
	_ =	strace $0x8000004B  }
0xb2: {  	_ =	swait.ge [sflag:s26], $0x1  }
0xb3: {  	[sflag:s26] =	ssyncadd.s32 $0xFFFFFFFF  }
0xb4: {  	_ =	strace $0x9000004B  }
0xb5: {  	_ =	sfence  }
0xb6: {  	s28 =	sld [smem:$0x0];
	_ =	sdelay $0x1  }
0xb7: {  	s29 =	srdreg.scid  }
0xb8: {  	s30 =	sshll.u32 s29, $0xD;
	s31 =	sshrl.u32 s29, $0x2  }
0xb9: {  	s1 =	sand.u32 $0x1, s29;
	s2 =	sand.u32 $0x4000, s30;
	s0 =	sadd.s32 s31, s28  }
0xba: {  	s1 =	sor.u32 s2, s1;
	s0 =	sshll.u32 s0, $0x11  }
0xbb: {  	s0 =	sor.u32 s0, s1  }
0xbc: {  	s0 =	sadd.s32 $0x8F2B, s0  }
0xbd: {  	[sflag:s0] =	ssyncadd.remote.s32 $0x1  }
0xbe: {  	_ =	sfence.sel $0xFFFF  }
0xbf: {  	[dreg:$0x0] =	wrdreg $0xFFFFFFFF;
	(pc) =	sbr.abs _section_cstart, $3  }
0xc0: {  	[dreg:$0x1] =	wrdreg $0xFFFFFFFF  }
0xc1: {  	_ =	task.clear_ibuf [dreg:s6], $0x2FFFF;
	_ =	strace $0x9FFFFFFF  }
0xc2: {  	(tm) =	ssettm $0x7FFFFFFF  }
0xc3: {  	_ =	shalt  }
tec
execute0_lowered:
.L_overlay_start_1:
0x0: {  	(tag) =	ssettag $0x1  }
0x1: {  	s1 =	rddreg [dreg:$0x0]  }
0x2: {  	s0 =	rddreg [dreg:$0x1]  }
0x3: {  	s29 =	rddreg [dreg:$0x2];
	_ =	strace $0x8000004A;
	s3 =	simm.s32 $0x1  }
0x4: {  	s8 =	simm.s32 $0x108;
	v0 =	vimm.s32 $0x0;
	[sflag:s3] =	ssyncpa.u1 $0x0  }
0x5: {  	[tilespmem:s8+$0x70] =	vst v0  }
0x6: {  	[tilespmem:s8+$0x60] =	vst v0  }
0x7: {  	[tilespmem:s8+$0x50] =	vst v0  }
0x8: {  	[tilespmem:s8+$0x40] =	vst v0  }
0x9: {  	[tilespmem:s8+$0x30] =	vst v0  }
0xa: {  	[tilespmem:s8+$0x20] =	vst v0  }
0xb: {  	s4 =	simm.s32 $0x40;
	s3 =	sadd.s32 $0x3400, s0;
	s5 =	sadd.s32 $0x4E00, s0;
	[tilespmem:s8+$0x10] =	vst v0  }
.LBB2_1:
0xc: {  	s4 =	sadd.s32 $0x40, s4;
	[tilespmem:s8+$0x0] =	vst v0;
	s8 =	sadd.s32 $0x80, s8  }
0xd: {  	p0 =	slt.u32 s4, $0x3C40;
	[tilespmem:s8+$0x70] =	vst v0  }
0xe: {  	[tilespmem:s8+$0x60] =	vst v0  }
.Ltmp0:
0xf: {  	[tilespmem:s8+$0x50] =	vst v0;
	(pc) =	sbr.rel @p0 .LBB2_1-.Ltmp0, $4  }
0x10: {  	[tilespmem:s8+$0x40] =	vst v0  }
0x11: {  	[tilespmem:s8+$0x30] =	vst v0  }
0x12: {  	[tilespmem:s8+$0x20] =	vst v0  }
0x13: {  	[tilespmem:s8+$0x10] =	vst v0  }
0x14: {  	s2 =	stileid.u32  }
0x15: {  	s0 =	simm.s32 $0x1;
	p0 =	sne.s32 s2, $0x0;
	s4 =	smul.u32 $0xD, s2  }
0x16: {  	s0 =	simm.s32 @!p0 $0x0  }
0x17: {  	s0 =	sadd.s32 s0, s4  }
0x18: {  	p1 =	seq.s32 s2, $0x0;
	s6 =	smul.u32 $0xF0, s0;
	s0 =	simm.s32 $0xD20  }
0x19: {  	s0 =	simm.s32 @!p1 $0xC30  }
0x1a: {  	s0 =	sadd.s32 s0, s6  }
0x1b: {  	s7 =	smin.u32 s0, $0xC350  }
0x1c: {  	s0 =	ssub.s32 s7, s6  }
0x1d: {  	p1 =	sgt.s32 s0, $0x0  }
0x1e: {  	s0 =	simm.s32 @!p1 $0x0  }
0x1f: {  	s30 =	smul.u32 $0x8889, s0  }
0x20: {  	s31 =	simm.s32 $0x2;
	s9 =	simm.s32 $0x7;
	s10 =	simm.s32 $0x1  }
0x21: {  	s12 =	simm.s32 $0x8;
	s19 =	simm.s32 $0x0;
	s4 =	sshrl.u32 s30, $0x17  }
0x22: {  	s15 =	simm.s32 $0xA;
	s17 =	simm.s32 $0x0;
	s11 =	smul.u32 $0xF0, s4  }
.Ltmp1:
0x23: {  	[tilespmem:s8+$0x0] =	vst v0;
	v0 =	vimm.s32 $0xFFFFFFFF;
	s18 =	simm.s32 $0x0;
	[sflag:s31] =	ssyncpa.u1 $0x0;
	(pc) =	sbr.rel .LBB2_3-.Ltmp1, $4  }
0x24: {  	[tilespmem:$0xF208] =	vst v0;
	[sflag:s9] =	ssyncpa.u1 $0x0;
	p1 =	sne.s32 s0, s11;
	s0 =	simm.s32 $0x1  }
0x25: {  	s13 =	sshll.u32 s2, $0x8;
	[sflag:s12] =	ssyncpa.u1 $0x0;
	s0 =	simm.s32 @!p1 $0x0  }
0x26: {  	s16 =	smov.u32 s6;
	s11 =	simm.s32 $0x9;
	s12 =	sadd.s32 s4, s0  }
0x27: {  	v0 =	vlaneseq.u32;
	[sflag:s11] =	ssyncpa.u1 $0x0;
	p1 =	por $0x0, $0x0;
	s14 =	sadd.s32 $0x1, s12  }
.LBB2_18:
0x28: {  	s0 =	sshrl.u32 s28, $0x2  }
.LBB2_20:
0x29: {  	_ =	swait.ge [sflag:s15], s0  }
0x2a: {  	s31 =	ssub.s32 $0x0, s0;
	v1 =	vmov s21;
	vm0 =	veq.s32 v0, $0x0;
	[sflag:s15] =	ssyncset.done $0x0  }
0x2b: {  	vm15 =	veq.s32 v0, $0x2;
	v1 =	vsel vm0, s26, v1;
	[sflag:s15] =	ssyncadd.s32 s31  }
0x2c: {  	v1 =	vsel vm15, s19, v1;
	[sflag:s15] =	ssyncpa.u1 $0x1  }
0x2d: {  	[tilespmem:$0xF208] =	vst v1  }
.LBB2_21:
0x2e: {  	s0 =	sadd.s32 $0xF0, s16  }
0x2f: {  	s2 =	smov.u32 s6;
	p2 =	slt.s32 s0, s7  }
0x30: {  	s2 =	smov.u32 @p2 s0;
	p2 =	sne.s32 s18, s14  }
.Ltmp2:
0x31: {  	_ = 	snop;
	(pc) =	sbr.rel @!p2 .LBB2_22-.Ltmp2, $3  }
0x32: {  	_ =	sdelay $0x1  }
0x33: {  	s19 =	smov.u32 s17;
	s31 =	sadd.s32 $0x1, s18;
	s17 =	smov.u32 s16  }
0x34: {  	p1 =	por !p1, !p1;
	s18 =	smov.u32 s31;
	s16 =	smov.u32 s2  }
.LBB2_3:
0x35: {  	p2 =	sge.u32 s18, s12  }
0x36: {  	s0 =	smulhi.u32 @!p2 $0xAAAAAAAB, s18  }
0x37: {  	s4 =	smov.u32 s16;
	p3 =	sgt.s32 @!p2 s16, $0xC260  }
0x38: {  	s20 =	sshra.s32 @!p2 s16, $0x1F;
	p3 =	por !p3, p2;
	s0 =	sshrl.u32 @!p2 s0, $0x1  }
0x39: {  	s20 =	sand.u32 @!p2 s20, s16;
	s4 =	simm.s32 @p3 $0xC260;
	s0 =	smul.u32 @!p2 $0x3, s0  }
0x3a: {  	s4 =	ssub.s32 @!p2 s4, s20  }
0x3b: {  	s4 =	sadd.s32 @!p2 $0xFFFF3DA0, s4;
	s0 =	ssub.s32 @!p2 s18, s0  }
0x3c: {  	s20 =	sshll.u32 @!p2 s4, $0x2;
	p3 =	sgt.s32 @!p2 s4, $0xEF;
	s0 =	smul.u32 @!p2 $0x3C0, s0  }
0x3d: {  	s21 =	sand.u32 @!p2 $0x7, s16;
	s4 =	ssub.s32 @!p2 $0x3C0, s20;
	p3 =	por !p3, p2  }
0x3e: {  	s20 =	sshrl.u32 @!p2 s16, $0x3;
	s4 =	sshrl.u32 @!p2 s4, $0x2;
	s0 =	sshrl.u32 @!p2 s0, $0x2  }
0x3f: {  	s20 =	sadd.s32 @!p2 s5, s20;
	s4 =	simm.s32 @!p3 $0x0;
	s0 =	sadd.s32 @!p2 $0x10238, s0  }
0x40: {  	[tilespmem:s0], [sflag:$0x8] =	stream.linear.gather @!p2 [hbm4b:s20+s21], s4, $0x38;
	[tilespmem:$0x1F6E8] =	vst v63  }
0x41: {  	s0 =	sadd.s32 $0xFFFFFFFF, s18  }
0x42: {  	p2 =	sge.u32 s0, s12  }
0x43: {  	p3 =	sgt.s32 @!p2 s17, $0xC260  }
0x44: {  	s4 =	smov.u32 s17;
	s20 =	sshra.s32 @!p2 s17, $0x1F;
	p3 =	por !p3, p2  }
0x45: {  	s20 =	sand.u32 @!p2 s20, s17;
	s4 =	simm.s32 @p3 $0xC260  }
0x46: {  	s4 =	ssub.s32 @!p2 s4, s20  }
0x47: {  	s4 =	sadd.s32 @!p2 $0xFFFF3DA0, s4  }
0x48: {  	s21 =	sand.u32 @!p2 $0x1, s0;
	s20 =	sshll.u32 @!p2 s4, $0x2  }
0x49: {  	p3 =	sgt.s32 @!p2 s4, $0xEF;
	s4 =	ssub.s32 @!p2 $0x3C0, s20;
	s20 =	smulhi.u32 @!p2 $0xAAAAAAAB, s0  }
0x4a: {  	s23 =	smul.u32 @!p2 $0x3C0, s21;
	p3 =	por !p3, p2;
	s4 =	sshrl.u32 @!p2 s4, $0x2  }
0x4b: {  	s22 =	simm.s32 @!p2 $0x8;
	s4 =	simm.s32 @!p3 $0x0;
	s20 =	sshrl.u32 @!p2 s20, $0x1  }
0x4c: {  	s23 =	sshrl.u32 @!p2 s23, $0x2;
	_ =	swait.ge @!p2 [sflag:s22], s4;
	s20 =	smul.u32 @!p2 $0x3, s20  }
0x4d: {  	s23 =	sor.u32 @!p2 $0x10508, s23;
	s24 =	ssub.s32 @!p2 $0x0, s4;
	[sflag:s22] =	ssyncset.done @!p2 $0x0  }
0x4e: {  	[sflag:s22] =	ssyncadd.s32 @!p2 s24;
	s22 =	sshrl.u32 @!p2 s17, $0x3;
	s0 =	ssub.s32 @!p2 s0, s20  }
0x4f: {  	s24 =	sand.u32 @!p2 $0x7, s17;
	s22 =	sadd.s32 @!p2 s3, s22;
	s0 =	smul.u32 @!p2 $0x3C0, s0  }
0x50: {  	[tilespmem:s23], [sflag:$0x9] =	stream.linear.gather @!p2 [hbm4b:s22+s24], s4, $0x38;
	[tilespmem:$0x1F6E8] =	vst v63  }
0x51: {  	s20 =	ssub.s32 @!p2 $0xC350, s17;
	s4 =	smul.u32 @!p2 $0x1E000, s21  }
0x52: {  	p3 =	slt.s32 @!p2 s20, $0xF0  }
0x53: {  	p3 =	por !p3, p2;
	s0 =	sshrl.u32 @!p2 s0, $0x2;
	s4 =	sshrl.u32 @!p2 s4, $0x2  }
0x54: {  	s20 =	simm.s32 @p3 $0xF0;
	s0 =	sadd.s32 @!p2 $0x10238, s0;
	s4 =	sor.u32 @!p2 $0x106E8, s4  }
0x55: {  	[tilespmem:s4], [sflag:$0x7] =	stream.indirect.gather @!p2 [hbm4b:s29+s20], $0x80, s0, s20, $0xb8;
	[tilespmem:$0x1F6E8] =	vst v63  }
0x56: {  	p2 =	slt.u32 s18, $0x2  }
.Ltmp3:
0x57: {  	_ = 	snop;
	(pc) =	sbr.rel @p2 .LBB2_21-.Ltmp3, $1  }
0x58: {  	_ =	sdelay $0x3  }
0x59: {  	p2 =	sgt.s32 s19, $0xC260;
	s0 =	smov.u32 s19  }
0x5a: {  	s4 =	sshra.s32 s19, $0x1F;
	s20 =	ssub.s32 $0xC350, s19;
	s0 =	simm.s32 @!p2 $0xC260  }
0x5b: {  	s4 =	sand.u32 s4, s19;
	p2 =	slt.s32 s20, $0xF0;
	s21 =	smov.u32 s20  }
0x5c: {  	s0 =	ssub.s32 s0, s4;
	s21 =	simm.s32 @!p2 $0xF0  }
0x5d: {  	s0 =	sadd.s32 $0xFFFF3DA0, s0;
	s26 =	sshll.u32 s21, $0x7  }
0x5e: {  	s28 =	sshll.u32 s0, $0x2;
	s4 =	sand.u32 $0x3FFFFF80, s26  }
0x5f: {  	p2 =	sgt.s32 s0, $0xEF;
	s30 =	ssub.s32 $0x3C0, s28;
	_ =	swait.ge [sflag:s9], s4  }
0x60: {  	s4 =	ssub.s32 $0x0, s4;
	[sflag:s9] =	ssyncset.done $0x0;
	s0 =	sshrl.u32 s30, $0x2  }
0x61: {  	[sflag:s9] =	ssyncadd.s32 s4;
	s0 =	simm.s32 @p2 $0x0  }
0x62: {  	_ =	swait.ge [sflag:s11], s0  }
0x63: {  	s0 =	ssub.s32 $0x0, s0;
	[sflag:s11] =	ssyncset.done $0x0  }
0x64: {  	[sflag:s11] =	ssyncadd.s32 s0  }
0x65: {  	v1 =	vld [tilespmem:$0xF208];
	_ =	sdelay $0x4  }
0x66: {  	(v2sf) =	vpush v1, $0x0  }
0x67: {  	(v2sf) =	vpush v1, $0x1  }
0x68: {  	(v2sf) =	vpush v1, $0x2;
	_ =	sdelay $0x3  }
0x69: {  	s0 =	sadd.s32 $0xF0, s19  }
0x6a: {  	p2 =	slt.s32 s7, s0  }
0x6b: {  	s0 =	smov.u32 @p2 s7;
	p2 =	sgt.s32 s20, $0x0  }
0x6c: {  	s23 =	ssub.s32 s0, s19;
	s20 =	simm.s32 @!p2 $0x0  }
0x6d: {  	p2 =	slt.s32 s20, s23  }
0x6e: {  	s23 =	smov.u32 @p2 s20  }
0x6f: {  	s22 =	simm.s32 $0x1;
	p2 =	slt.s32 s23, $0x1  }
.Ltmp4:
0x70: {  	s22 =	simm.s32 @!p1 $0x0;
	(pc) =	sbr.rel @p2 .LBB2_8-.Ltmp4, $4  }
0x71: {  	s31 =	smul.u32 $0x3C0, s22  }
0x72: {  	s24 =	spop (v2sf)  }
0x73: {  	s0 =	sshrl.u32 s31, $0x2;
	s26 =	spop (v2sf)  }
0x74: {  	s20 =	sor.u32 $0x10508, s0;
	s19 =	spop (v2sf)  }
0x75: {  	s0 =	smin.u32 s23, $0x10  }
0x76: {  	v1 =	vmov s0  }
0x77: {  	p3 =	sgt.s32 s23, $0x10;
	vm1 =	vgt.u32 v1, v0  }
.Ltmp5:
0x78: {  	_ = 	snop;
	(pc) =	sbr.rel @!p3 .LBB2_7-.Ltmp5, $2  }
0x79: {  	_ =	sdelay $0x2  }
0x7a: {  	s25 =	simm.s32 $0x10;
	s28 =	sadd.s32 $0xFFFFFFF0, s23;
	s21 =	smov.u32 s20;
	vm0 =	vmmov vm1  }
.LBB2_6:
0x7b: {  	s0 =	smin.u32 s28, $0x10;
	s25 =	sadd.s32 $0x10, s25;
	v1 =	vld.msk [tilespmem:s21+$0x0 ss:$0x1], vm1  }
0x7c: {  	v2 =	vmov s0;
	p3 =	slt.s32 s25, s23  }
0x7d: {  	vm1 =	vgt.u32 v2, v0  }
.Ltmp6:
0x7e: {  	(pc) =	sbr.rel @p3 .LBB2_6-.Ltmp6, $3  }
0x7f: {  	_ =	sdelay $0x1  }
0x80: {  	v1 =	vshll.u32 v1, $0x4  }
0x81: {  	s28 =	sadd.s32 $0xFFFFFFF0, s28;
	[tilespmem:s21+$0x0] =	vst.msk vm0, v1;
	s21 =	sadd.s32 $0x10, s21;
	vm0 =	vmmov vm1  }
.LBB2_7:
0x82: {  	_ =	sdelay $0x4  }
0x83: {  	v1 =	vld.msk [tilespmem:s21+$0x0 ss:$0x1], vm1;
	_ =	sdelay $0x4  }
0x84: {  	v1 =	vshll.u32 v1, $0x4  }
0x85: {  	[tilespmem:s21+$0x0] =	vst.msk vm0, v1  }
.LBB2_8:
0x86: {  	s0 =	sand.u32 $0x1, s18  }
0x87: {  	s0 =	smul.u32 $0xF0, s0  }
0x88: {  	p3 =	sne.s32 s26, $0xFFFFFFFF  }
0x89: {  	v1 =	vld.msk @!p3 [tilespmem:s0+$0x10508], $0x1;
	_ =	sdelay $0x4  }
0x8a: {  	(v2sf) =	vpush @!p3 v1, $0x0;
	_ =	sdelay $0xc  }
.Ltmp7:
0x8b: {  	_ = 	snop;
	(pc) =	sbr.rel @p2 .LBB2_19-.Ltmp7, $4  }
0x8c: {  	_ = 	snop  }
0x8d: {  	s25 =	spop @!p3 (v2sf)  }
0x8e: {  	s19 =	simm.s32 @!p3 $0x0;
	s21 =	smov.u32 s25  }
0x8f: {  	[sflag:s15] =	ssyncpa.u1 $0x0;
	s25 =	smov.u32 @p3 s24;
	s21 =	smov.u32 @p3 s26  }
0x90: {  	v1 =	vld.msk [tilespmem:s20+$0x0], $0x1;
	_ =	sdelay $0x4  }
0x91: {  	(v2sf) =	vpush v1, $0x0;
	_ =	sdelay $0xe  }
0x92: {  	s8 =	smov.u32 s29;
	s0 =	smul.u32 $0x1E000, s22;
	s29 =	spop (v2sf)  }
0x93: {  	s23 =	ssub.s32 $0x0, s23;
	p2 =	seq.s32 s25, s29  }
0x94: {  	s26 =	sadd.s32 $0x1, s23;
	s0 =	sshrl.u32 s0, $0x2;
	p3 =	sgt.s32 @!p2 s25, $0x0  }
0x95: {  	s22 =	sor.u32 $0x10728, s0;
	s0 =	smov.u32 s25;
	p3 =	por !p3, p2  }
0x96: {  	s0 =	simm.s32 @p3 $0x0;
	p3 =	seq.s32 s26, $0x0  }
.Ltmp8:
0x97: {  	_ = 	snop;
	(pc) =	sbr.rel @p3 .LBB2_11-.Ltmp8, $4  }
0x98: {  	_ = 	snop  }
0x99: {  	s24 =	simm.s32 $0x0;
	s28 =	sadd.s32 $0x1, s20;
	s0 =	smin.u32 @!p2 s0, $0xFFFF0  }
0x9a: {  	s30 =	simm.s32 @!p2 $0x1;
	s31 =	simm.s32 @!p2 $0x7988;
	s4 =	sand.u32 @!p2 $0xFFFF8, s0  }
0x9b: {  	s30 =	smov.u32 @p2 s24;
	s0 =	sand.u32 @!p2 $0x7, s0;
	s4 =	sadd.s32 @!p2 s1, s4  }
.LBB2_10:
0x9c: {  	s2 =	smov.u32 s30  }
0x9d: {  	[tilespmem:s31], [sflag:$0x2] =	stream.linear.gather @!p2 [hbm4b:s4+s0], $0x80, $0x38;
	[tilespmem:$0x1F6E8] =	vst v63  }
0x9e: {  	s26 =	sadd.s32 $0x1, s26;
	s0 =	smov.u32 s29;
	v1 =	vld.msk [tilespmem:s28+$0x0], $0x1  }
0x9f: {  	p3 =	seq.s32 s26, $0x0;
	_ =	sdelay $0x3  }
0xa0: {  	(v2sf) =	vpush v1, $0x0;
	_ =	sdelay $0xe  }
0xa1: {  	s29 =	spop (v2sf)  }
0xa2: {  	p2 =	seq.s32 s0, s29  }
0xa3: {  	p4 =	sgt.s32 @!p2 s0, $0x0;
	s4 =	sshll.u32 @!p2 s30, $0x9;
	s30 =	sadd.s32 @!p2 $0x1, s30  }
.Ltmp9:
0xa4: {  	p4 =	por !p4, p2;
	s4 =	sshra.s32 @!p2 s4, $0x2;
	(pc) =	sbr.rel @!p3 .LBB2_10-.Ltmp9, $4  }
0xa5: {  	s30 =	smov.u32 @p2 s2;
	s0 =	simm.s32 @p4 $0x0;
	s31 =	sadd.s32 @!p2 $0x7988, s4  }
0xa6: {  	s0 =	smin.u32 @!p2 s0, $0xFFFF0  }
0xa7: {  	s2 =	sand.u32 @!p2 $0xFFFF8, s0;
	s0 =	sand.u32 @!p2 $0x7, s0  }
0xa8: {  	s28 =	sadd.s32 $0x1, s28;
	s4 =	sadd.s32 @!p2 s1, s2  }
.LBB2_11:
0xa9: {  	[tilespmem:s31], [sflag:$0x2] =	stream.linear.gather @!p2 [hbm4b:s4+s0], $0x80, $0x38;
	[tilespmem:$0x1F6E8] =	vst v63  }
.Ltmp10:
0xaa: {  	s31 =	sshll.u32 s30, $0x7;
	(pc) =	sbr.rel .LBB2_12-.Ltmp10, $4  }
0xab: {  	s2 =	simm.s32 $0x2;
	s0 =	sand.u32 $0x3FFFFF80, s31  }
0xac: {  	_ =	swait.ge [sflag:s2], s0  }
0xad: {  	s0 =	ssub.s32 $0x0, s0;
	[sflag:s2] =	ssyncset.done $0x0  }
0xae: {  	s28 =	simm.s32 $0x0;
	s29 =	smov.u32 s8;
	[sflag:s2] =	ssyncadd.s32 s0  }
.LBB2_13:
0xaf: {  	v1 =	vld [tilespmem:s22+$0xFFFFFFC0];
	_ =	sdelay $0x3  }
0xb0: {  	s0 =	sshra.s32 s0, $0x2  }
0xb1: {  	[tilespmem:s0+$0x108] =	vst.add.f32.msk $0xffff, v1  }
0xb2: {  	v1 =	vld [tilespmem:s22+$0xFFFFFFD0];
	_ =	sdelay $0x4  }
0xb3: {  	[tilespmem:s0+$0x118] =	vst.add.f32.msk $0xffff, v1  }
0xb4: {  	v1 =	vld [tilespmem:s22+$0xFFFFFFE0];
	_ =	sdelay $0x4  }
0xb5: {  	[tilespmem:s0+$0x128] =	vst.add.f32.msk $0xffff, v1  }
0xb6: {  	v1 =	vld [tilespmem:s22+$0xFFFFFFF0];
	_ =	sdelay $0x4  }
0xb7: {  	[tilespmem:s0+$0x138] =	vst.add.f32.msk $0xffff, v1  }
0xb8: {  	v1 =	vld [tilespmem:s22+$0x0];
	_ =	sdelay $0x4  }
0xb9: {  	[tilespmem:s0+$0x148] =	vst.add.f32.msk $0xffff, v1  }
0xba: {  	v1 =	vld [tilespmem:s22+$0x10];
	_ =	sdelay $0x4  }
0xbb: {  	[tilespmem:s0+$0x158] =	vst.add.f32.msk $0xffff, v1  }
0xbc: {  	v1 =	vld [tilespmem:s22+$0x20];
	_ =	sdelay $0x4  }
0xbd: {  	[tilespmem:s0+$0x168] =	vst.add.f32.msk $0xffff, v1  }
0xbe: {  	v1 =	vld [tilespmem:s22+$0x30];
	_ =	sdelay $0x4  }
0xbf: {  	[tilespmem:s0+$0x178] =	vst.add.f32.msk $0xffff, v1  }
.LBB2_17:
0xc0: {  	s23 =	sadd.s32 $0x1, s23  }
0xc1: {  	p2 =	seq.s32 s23, $0x0  }
.Ltmp11:
0xc2: {  	_ = 	snop;
	(pc) =	sbr.rel @p2 .LBB2_18-.Ltmp11, $2  }
0xc3: {  	_ =	sdelay $0x2  }
0xc4: {  	s20 =	sadd.s32 $0x1, s20;
	s22 =	sadd.s32 $0x80, s22;
	s25 =	smov.u32 s26  }
.LBB2_12:
0xc5: {  	v1 =	vld.msk [tilespmem:s20+$0x0], $0x1;
	_ =	sdelay $0x4  }
0xc6: {  	(v2sf) =	vpush v1, $0x0;
	_ =	sdelay $0xe  }
0xc7: {  	s26 =	spop (v2sf)  }
0xc8: {  	p2 =	sne.s32 s25, s26  }
.Ltmp12:
0xc9: {  	_ = 	snop;
	(pc) =	sbr.rel @!p2 .LBB2_13-.Ltmp12, $2  }
0xca: {  	_ =	sdelay $0x2  }
0xcb: {  	s0 =	sshll.u32 s19, $0x9  }
0xcc: {  	p2 =	seq.s32 s25, s21  }
.Ltmp13:
0xcd: {  	_ = 	snop;
	(pc) =	sbr.rel @!p2 .LBB2_15-.Ltmp13, $1  }
0xce: {  	_ =	sdelay $0x3  }
0xcf: {  	s0 =	sshra.s32 s0, $0x2  }
.Ltmp14:
0xd0: {  	s0 =	sadd.s32 $0x108, s0;
	(pc) =	sbr.rel .LBB2_16-.Ltmp14, $4  }
0xd1: {  	[spmem:s13] =	stream.linear.scatter [tilespmem:s0], [sflag:$0x1], $0x80, $0x38;
	[tilespmem:$0x1F6E8] =	vst v63  }
0xd2: {  	_ =	swait.ge [sflag:s10], $0x80  }
0xd3: {  	[sflag:s10] =	ssyncset.done $0x0  }
0xd4: {  	[sflag:s10] =	ssyncadd.s32 $0xFFFFFF80  }
.LBB2_15:
0xd5: {  	s2 =	sshll.u32 s24, $0x9  }
0xd6: {  	s2 =	sshra.s32 s2, $0x2  }
0xd7: {  	v1 =	vld [tilespmem:s2+$0x7988];
	_ =	sdelay $0x3  }
0xd8: {  	s0 =	sshra.s32 s0, $0x2  }
0xd9: {  	[tilespmem:s0+$0x108] =	vst.add.f32.msk $0xffff, v1  }
0xda: {  	v1 =	vld [tilespmem:s2+$0x7998];
	_ =	sdelay $0x4  }
0xdb: {  	[tilespmem:s0+$0x118] =	vst.add.f32.msk $0xffff, v1  }
0xdc: {  	v1 =	vld [tilespmem:s2+$0x79A8];
	_ =	sdelay $0x4  }
0xdd: {  	[tilespmem:s0+$0x128] =	vst.add.f32.msk $0xffff, v1  }
0xde: {  	v1 =	vld [tilespmem:s2+$0x79B8];
	_ =	sdelay $0x4  }
0xdf: {  	[tilespmem:s0+$0x138] =	vst.add.f32.msk $0xffff, v1  }
0xe0: {  	v1 =	vld [tilespmem:s2+$0x79C8];
	_ =	sdelay $0x4  }
0xe1: {  	[tilespmem:s0+$0x148] =	vst.add.f32.msk $0xffff, v1  }
0xe2: {  	v1 =	vld [tilespmem:s2+$0x79D8];
	_ =	sdelay $0x4  }
0xe3: {  	[tilespmem:s0+$0x158] =	vst.add.f32.msk $0xffff, v1  }
0xe4: {  	v1 =	vld [tilespmem:s2+$0x79E8];
	_ =	sdelay $0x4  }
0xe5: {  	[tilespmem:s0+$0x168] =	vst.add.f32.msk $0xffff, v1  }
0xe6: {  	v1 =	vld [tilespmem:s2+$0x79F8];
	_ =	sdelay $0x2  }
0xe7: {  	p2 =	sgt.u32 s25, $0xFFFF0  }
0xe8: {  	s2 =	sand.u32 @!p2 $0xFFFF8, s25  }
0xe9: {  	s4 =	sadd.s32 $0x108, s0;
	[tilespmem:s0+$0x178] =	vst.add.f32.msk $0xffff, v1;
	s0 =	sadd.s32 @!p2 s1, s2;
	s2 =	sand.u32 @!p2 $0x7, s25  }
0xea: {  	[hbm4b:s0+s2] =	stream.linear.scatter @!p2 [tilespmem:s4], [sflag:$0xA], $0x80, $0x38;
	[tilespmem:$0x1F6E8] =	vst v63  }
0xeb: {  	s0 =	simm.s32 $0x0  }
0xec: {  	s0 =	simm.s32 @!p2 $0x200  }
0xed: {  	s28 =	sadd.s32 s0, s28  }
.LBB2_16:
0xee: {  	s0 =	sadd.s32 $0x1, s19  }
0xef: {  	s2 =	smulhi.u32 $0x88888889, s0;
	_ =	sdelay $0x1  }
0xf0: {  	v1 =	vld [tilespmem:s22+$0xFFFFFFC0];
	s2 =	sshrl.u32 s2, $0x7  }
0xf1: {  	s2 =	smul.u32 $0xF0, s2;
	_ =	sdelay $0x1  }
0xf2: {  	s19 =	ssub.s32 s0, s2  }
0xf3: {  	s0 =	sshll.u32 s19, $0x7  }
0xf4: {  	[tilespmem:s0+$0x108] =	vst v1  }
0xf5: {  	v1 =	vld [tilespmem:s22+$0xFFFFFFD0];
	_ =	sdelay $0x4  }
0xf6: {  	[tilespmem:s0+$0x118] =	vst v1  }
0xf7: {  	v1 =	vld [tilespmem:s22+$0xFFFFFFE0];
	_ =	sdelay $0x4  }
0xf8: {  	[tilespmem:s0+$0x128] =	vst v1  }
0xf9: {  	v1 =	vld [tilespmem:s22+$0xFFFFFFF0];
	_ =	sdelay $0x4  }
0xfa: {  	[tilespmem:s0+$0x138] =	vst v1  }
0xfb: {  	v1 =	vld [tilespmem:s22+$0x0];
	_ =	sdelay $0x4  }
0xfc: {  	[tilespmem:s0+$0x148] =	vst v1  }
0xfd: {  	v1 =	vld [tilespmem:s22+$0x10];
	_ =	sdelay $0x4  }
0xfe: {  	[tilespmem:s0+$0x158] =	vst v1  }
0xff: {  	v1 =	vld [tilespmem:s22+$0x20];
	_ =	sdelay $0x4  }
0x100: {  	[tilespmem:s0+$0x168] =	vst v1  }
0x101: {  	v1 =	vld [tilespmem:s22+$0x30]  }
.Ltmp15:
0x102: {  	_ = 	snop;
	(pc) =	sbr.rel .LBB2_17-.Ltmp15, $2  }
0x103: {  	_ =	sdelay $0x2  }
0x104: {  	s24 =	sadd.s32 $0x1, s24;
	[tilespmem:s0+$0x178] =	vst v1  }
.LBB2_19:
.Ltmp16:
0x105: {  	(pc) =	sbr.rel .LBB2_20-.Ltmp16, $4  }
0x106: {  	_ = 	snop  }
0x107: {  	s0 =	simm.s32 $0x2  }
0x108: {  	_ =	swait.ge [sflag:s0], $0x0  }
0x109: {  	s26 =	smov.u32 s25;
	[sflag:s0] =	ssyncset.done $0x0;
	s0 =	simm.s32 $0x0  }
.LBB2_22:
0x10a: {  	_ =	sfence.sel $0x180000  }
0x10b: {  	s0 =	simm.s32 $0x7;
	[bflag:$0x0] =	sbarrier.arrive $0xFFFF  }
0x10c: {  	s24 =	simm.s32 $0x8;
	[sflag:s0] =	ssyncpa.u1 $0x1  }
0x10d: {  	s25 =	simm.s32 $0x9;
	[sflag:s24] =	ssyncpa.u1 $0x1  }
0x10e: {  	s26 =	simm.s32 $0x2;
	[sflag:s25] =	ssyncpa.u1 $0x1  }
0x10f: {  	[sflag:s26] =	ssyncpa.u1 $0x1  }
0x110: {  	v0 =	vld [tilespmem:$0xF208];
	_ =	sdelay $0x4  }
0x111: {  	(v2sf) =	vpush v0, $0x0  }
0x112: {  	(v2sf) =	vpush v0, $0x1;
	_ =	sdelay $0x1  }
0x113: {  	(v2sf) =	vpush v0, $0x2;
	_ =	sdelay $0xb  }
0x114: {  	s0 =	spop (v2sf)  }
0x115: {  	s2 =	spop (v2sf)  }
0x116: {  	s3 =	smov.u32 s0;
	p1 =	sne.s32 s0, s2  }
0x117: {  	s4 =	spop (v2sf);
	s3 =	simm.s32 @!p1 $0xFFFFFFFF  }
0x118: {  	v2 =	vimm.s32 $0x1;
	v3 =	vlaneseq.u32;
	p1 =	seq.s32 s4, $0xFFFFFFFF;
	v1 =	vmov s3  }
0x119: {  	s28 =	stileid.u32;
	v0 =	vperm.xlane v0, v2;
	p2 =	sne.s32 @!p1 s0, s2;
	v1 =	vperm.xlane v1, v3  }
0x11a: {  	vm0 =	vcmask $0x3F04;
	s6 =	simm.s32 $0xF208;
	s0 =	simm.s32 @!p1 $0x1;
	p2 =	por !p2, p1  }
0x11b: {  	s3 =	sshll.u32 s28, $0x1;
	s2 =	sshll.u32 @!p1 s4, $0x9;
	s0 =	simm.s32 @p2 $0x0;
	v0 =	vsel vm0, v1, v0  }
0x11c: {  	s5 =	sor.u32 $0x1000, s3;
	s2 =	sshra.s32 @!p1 s2, $0x2;
	s0 =	sor.u32 @!p1 s0, s3;
	[tilespmem:$0xF208] =	vst v0  }
0x11d: {  	[spmem:s5] =	stream.linear.scatter [tilespmem:s6], [sflag:$0x1], $0x2, $0x38;
	[tilespmem:$0x1F6E8] =	vst v63  }
0x11e: {  	s2 =	sadd.s32 @!p1 $0x108, s2;
	s0 =	sshll.u32 @!p1 s0, $0x7  }
0x11f: {  	[spmem:s0] =	stream.linear.scatter @!p1 [tilespmem:s2], [sflag:$0x1], $0x80, $0x38;
	[tilespmem:$0x1F6E8] =	vst v63  }
0x120: {  	s0 =	simm.s32 @!p1 $0x82  }
0x121: {  	s2 =	simm.s32 $0x1;
	s0 =	simm.s32 @p1 $0x2  }
0x122: {  	_ =	swait.ge [sflag:s2], s0  }
0x123: {  	s0 =	ssub.s32 $0x0, s0;
	[sflag:s2] =	ssyncset.done $0x0  }
0x124: {  	[sflag:s2] =	ssyncadd.s32 s0  }
0x125: {  	_ =	sfence.stream.spmem  }
0x126: {  	s29 =	simm.s32 $0x3;
	[bflag:$0x0] =	sbarrier.arrive $0xFFFF  }
0x127: {  	s30 =	simm.s32 $0x4;
	[sflag:s29] =	ssyncpa.u1 $0x1  }
0x128: {  	s31 =	simm.s32 $0x3C;
	[sflag:s30] =	ssyncpa.u1 $0x1  }
0x129: {  	[sflag:s31] =	ssyncpa.u1 $0x1  }
0x12a: {  	_ =	sfence @p0  }
0x12b: {  	[sflag:s2] =	ssyncpa.u1 @p0 $0x1  }
0x12c: {  	_ =	strace @p0 $0x9000004A  }
0x12d: {  	[bflag:$0x2] =	sbarrier.arrive @p0 $0xFFFF  }
0x12e: {  	_ =	shalt @p0  }
.LBB2_23:
0x12f: {  	_ =	sfence.stream.spmem;
	s0 =	simm.s32 $0x5  }
0x130: {  	s2 =	simm.s32 $0x1000;
	s3 =	simm.s32 $0xF218;
	[sflag:s0] =	ssyncpa.u1 $0x0  }
0x131: {  	[tilespmem:s3], [sflag:$0x5] =	stream.linear.gather [spmem:s2], $0x20, $0x38;
	[tilespmem:$0x1F6E8] =	vst v63  }
0x132: {  	s30 =	simm.s32 $0xF238;
	s2 =	simm.s32 $0x0  }
0x133: {  	[tilespmem:s30], [sflag:$0x5] =	stream.linear.gather [spmem:s2], $0x1000, $0x38;
	[tilespmem:$0x1F6E8] =	vst v63  }
.Ltmp17:
0x134: {  	_ = 	snop;
	(pc) =	sbr.rel .LBB2_24-.Ltmp17, $4  }
0x135: {  	_ =	swait.ge [sflag:s0], $0x1020  }
0x136: {  	[sflag:s0] =	ssyncset.done $0x0  }
0x137: {  	s31 =	simm.s32 $0x6;
	[sflag:s0] =	ssyncadd.s32 $0xFFFFEFE0  }
0x138: {  	s3 =	simm.s32 $0x0;
	[sflag:s31] =	ssyncpa.u1 $0x0  }
.LBB2_30:
0x139: {  	p0 =	slt.u32 s4, $0xFFFF1  }
0x13a: {  	s0 =	sand.u32 @p0 $0xFFFF8, s4  }
0x13b: {  	s4 =	sand.u32 @p0 $0x7, s4;
	s5 =	simm.s32 @p0 $0xF188;
	s0 =	sadd.s32 @p0 s1, s0  }
0x13c: {  	[tilespmem:s5], [sflag:$0x6] =	stream.linear.gather @p0 [hbm4b:s0+s4], $0x80, $0x38;
	[tilespmem:$0x1F6E8] =	vst v63  }
0x13d: {  	s0 =	simm.s32 @p0 $0x6  }
0x13e: {  	_ =	swait.ge @p0 [sflag:s0], $0x80  }
0x13f: {  	[sflag:s0] =	ssyncset.done @p0 $0x0  }
0x140: {  	[sflag:s0] =	ssyncadd.s32 @p0 $0xFFFFFF80  }
0x141: {  	v1 =	vld @p0 [tilespmem:$0xF188];
	_ =	sdelay $0x2  }
0x142: {  	s0 =	sshll.u32 @p0 s3, $0x9  }
0x143: {  	s4 =	sshrl.u32 @p0 s0, $0x2  }
0x144: {  	[tilespmem:s4+$0xF238] =	vst.add.f32.msk @p0 $0xffff, v1  }
0x145: {  	v1 =	vld @p0 [tilespmem:$0xF198];
	_ =	sdelay $0x4  }
0x146: {  	[tilespmem:s4+$0xF248] =	vst.add.f32.msk @p0 $0xffff, v1  }
0x147: {  	v1 =	vld @p0 [tilespmem:$0xF1A8];
	_ =	sdelay $0x4  }
0x148: {  	[tilespmem:s4+$0xF258] =	vst.add.f32.msk @p0 $0xffff, v1  }
0x149: {  	v1 =	vld @p0 [tilespmem:$0xF1B8];
	_ =	sdelay $0x4  }
0x14a: {  	[tilespmem:s4+$0xF268] =	vst.add.f32.msk @p0 $0xffff, v1  }
0x14b: {  	v1 =	vld @p0 [tilespmem:$0xF1C8];
	_ =	sdelay $0x4  }
0x14c: {  	[tilespmem:s4+$0xF278] =	vst.add.f32.msk @p0 $0xffff, v1  }
0x14d: {  	v1 =	vld @p0 [tilespmem:$0xF1D8];
	_ =	sdelay $0x4  }
0x14e: {  	[tilespmem:s4+$0xF288] =	vst.add.f32.msk @p0 $0xffff, v1  }
0x14f: {  	v1 =	vld @p0 [tilespmem:$0xF1E8];
	_ =	sdelay $0x4  }
0x150: {  	[tilespmem:s4+$0xF298] =	vst.add.f32.msk @p0 $0xffff, v1  }
0x151: {  	v1 =	vld @p0 [tilespmem:$0xF1F8];
	_ =	sdelay $0x3  }
0x152: {  	s5 =	sshll.u32 @!p0 s3, $0x9  }
0x153: {  	s5 =	smov.u32 @p0 s0;
	[tilespmem:s4+$0xF2A8] =	vst.add.f32.msk @p0 $0xffff, v1  }
0x154: {  	s0 =	sshrl.u32 s5, $0x2;
	[tilespmem:s2+$0xF218] =	vst.msk $0x1, v0  }
0x155: {  	v0 =	vld [tilespmem:s0+$0xF238];
	_ =	sdelay $0x2  }
0x156: {  	s31 =	sshll.u32 s2, $0x9  }
0x157: {  	s4 =	sshra.s32 s31, $0x2  }
0x158: {  	[tilespmem:s4+$0xF238] =	vst v0  }
0x159: {  	v0 =	vld [tilespmem:s0+$0xF248];
	_ =	sdelay $0x4  }
0x15a: {  	[tilespmem:s4+$0xF248] =	vst v0  }
0x15b: {  	v0 =	vld [tilespmem:s0+$0xF258];
	_ =	sdelay $0x4  }
0x15c: {  	[tilespmem:s4+$0xF258] =	vst v0  }
0x15d: {  	v0 =	vld [tilespmem:s0+$0xF268];
	_ =	sdelay $0x4  }
0x15e: {  	[tilespmem:s4+$0xF268] =	vst v0  }
0x15f: {  	v0 =	vld [tilespmem:s0+$0xF278];
	_ =	sdelay $0x4  }
0x160: {  	[tilespmem:s4+$0xF278] =	vst v0  }
0x161: {  	v0 =	vld [tilespmem:s0+$0xF288];
	_ =	sdelay $0x4  }
0x162: {  	[tilespmem:s4+$0xF288] =	vst v0  }
0x163: {  	v0 =	vld [tilespmem:s0+$0xF298];
	_ =	sdelay $0x4  }
0x164: {  	[tilespmem:s4+$0xF298] =	vst v0  }
0x165: {  	v0 =	vld [tilespmem:s0+$0xF2A8];
	_ =	sdelay $0x4  }
0x166: {  	s2 =	sadd.s32 $0x1, s2;
	[tilespmem:s4+$0xF2A8] =	vst v0  }
.LBB2_31:
0x167: {  	s3 =	sadd.s32 $0x1, s3  }
0x168: {  	p0 =	sne.s32 s3, $0x20  }
.Ltmp18:
0x169: {  	_ = 	snop;
	(pc) =	sbr.rel @!p0 .LBB2_32-.Ltmp18, $1  }
0x16a: {  	_ =	sdelay $0x3  }
.LBB2_24:
0x16b: {  	v0 =	vld.msk [tilespmem:s3+$0xF218], $0x1;
	_ =	sdelay $0x4  }
0x16c: {  	(v2sf) =	vpush v0, $0x0;
	_ =	sdelay $0xe  }
0x16d: {  	s4 =	spop (v2sf)  }
0x16e: {  	p0 =	seq.s32 s4, $0xFFFFFFFF  }
.Ltmp19:
0x16f: {  	_ = 	snop;
	(pc) =	sbr.rel @p0 .LBB2_31-.Ltmp19, $1  }
0x170: {  	_ =	sdelay $0x3  }
0x171: {  	p0 =	slt.s32 s2, $0x1  }
.Ltmp20:
0x172: {  	_ = 	snop;
	(pc) =	sbr.rel @p0 .LBB2_30-.Ltmp20, $1  }
0x173: {  	_ =	sdelay $0x3  }
0x174: {  	s5 =	simm.s32 $0xF218;
	p0 =	por $0x0, $0x0  }
0x175: {  	v1 =	vld.msk @!p0 [tilespmem:s5+$0x0], $0x1;
	_ =	sdelay $0x4  }
0x176: {  	(v2sf) =	vpush @!p0 v1, $0x0;
	_ =	sdelay $0xd  }
0x177: {  	p2 =	sne.s32 s2, $0x1  }
.Ltmp21:
0x178: {  	s0 =	spop @!p0 (v2sf);
	(pc) =	sbr.rel @!p2 .LBB2_28-.Ltmp21, $4  }
0x179: {  	p1 =	seq.s32 @!p0 s4, s0  }
0x17a: {  	s6 =	simm.s32 $0x0;
	p1 =	por !p1, p0  }
0x17b: {  	s0 =	simm.s32 $0xFFFFFFFF;
	s6 =	simm.s32 @p1 $0xFFFFFFFF  }
0x17c: {  	s7 =	simm.s32 $0x1;
	s6 =	smov.u32 @p0 s0  }
.LBB2_27:
0x17d: {  	s0 =	smov.u32 s6;
	p0 =	sne.s32 s6, $0xFFFFFFFF  }
0x17e: {  	s5 =	sadd.s32 $0x1, s5;
	s6 =	smov.u32 s7;
	s7 =	sadd.s32 $0x1, s7  }
0x17f: {  	p1 =	sne.s32 s2, s7;
	v1 =	vld.msk @!p0 [tilespmem:s5+$0x0], $0x1;
	_ =	sdelay $0x4  }
0x180: {  	(v2sf) =	vpush @!p0 v1, $0x0;
	_ =	sdelay $0xe  }
.Ltmp22:
0x181: {  	s8 =	spop @!p0 (v2sf);
	(pc) =	sbr.rel @p1 .LBB2_27-.Ltmp22, $4  }
0x182: {  	p2 =	seq.s32 @!p0 s4, s8  }
0x183: {  	p2 =	por !p2, p0  }
0x184: {  	s6 =	simm.s32 @p2 $0xFFFFFFFF  }
0x185: {  	s6 =	smov.u32 @p0 s0  }
.LBB2_28:
0x186: {  	p0 =	seq.s32 s6, $0xFFFFFFFF  }
.Ltmp23:
0x187: {  	_ = 	snop;
	(pc) =	sbr.rel @p0 .LBB2_30-.Ltmp23, $1  }
0x188: {  	_ =	sdelay $0x3  }
0x189: {  	s0 =	sshll.u32 s3, $0x7  }
0x18a: {  	s0 =	sand.u32 $0x3FFFFF80, s0  }
0x18b: {  	v0 =	vld [tilespmem:s0+$0xF238];
	_ =	sdelay $0x2  }
0x18c: {  	s4 =	sshll.u32 s6, $0x9  }
0x18d: {  	s4 =	sshra.s32 s4, $0x2  }
0x18e: {  	[tilespmem:s4+$0xF238] =	vst.add.f32.msk $0xffff, v0  }
0x18f: {  	v0 =	vld [tilespmem:s0+$0xF248];
	_ =	sdelay $0x4  }
0x190: {  	[tilespmem:s4+$0xF248] =	vst.add.f32.msk $0xffff, v0  }
0x191: {  	v0 =	vld [tilespmem:s0+$0xF258];
	_ =	sdelay $0x4  }
0x192: {  	[tilespmem:s4+$0xF258] =	vst.add.f32.msk $0xffff, v0  }
0x193: {  	v0 =	vld [tilespmem:s0+$0xF268];
	_ =	sdelay $0x4  }
0x194: {  	[tilespmem:s4+$0xF268] =	vst.add.f32.msk $0xffff, v0  }
0x195: {  	v0 =	vld [tilespmem:s0+$0xF278];
	_ =	sdelay $0x4  }
0x196: {  	[tilespmem:s4+$0xF278] =	vst.add.f32.msk $0xffff, v0  }
0x197: {  	v0 =	vld [tilespmem:s0+$0xF288];
	_ =	sdelay $0x4  }
0x198: {  	[tilespmem:s4+$0xF288] =	vst.add.f32.msk $0xffff, v0  }
0x199: {  	v0 =	vld [tilespmem:s0+$0xF298];
	_ =	sdelay $0x4  }
0x19a: {  	[tilespmem:s4+$0xF298] =	vst.add.f32.msk $0xffff, v0  }
0x19b: {  	v0 =	vld [tilespmem:s0+$0xF2A8]  }
.Ltmp24:
0x19c: {  	_ = 	snop;
	(pc) =	sbr.rel .LBB2_31-.Ltmp24, $2  }
0x19d: {  	_ =	sdelay $0x2  }
0x19e: {  	[tilespmem:s4+$0xF2A8] =	vst.add.f32.msk $0xffff, v0  }
.LBB2_32:
0x19f: {  	p0 =	slt.s32 s2, $0x1  }
.Ltmp25:
0x1a0: {  	_ = 	snop;
	(pc) =	sbr.rel @p0 .LBB2_36-.Ltmp25, $3  }
0x1a1: {  	_ =	sdelay $0x1  }
0x1a2: {  	s0 =	simm.s32 $0x6  }
0x1a3: {  	s3 =	simm.s32 $0x0;
	[sflag:s0] =	ssyncpa.u1 $0x1  }
0x1a4: {  	s0 =	simm.s32 $0xF218  }
0x1a5: {  	v0 =	vld.msk [tilespmem:s0+$0x0], $0x1;
	_ =	sdelay $0x4  }
0x1a6: {  	(v2sf) =	vpush v0, $0x0;
	_ =	sdelay $0xd  }
0x1a7: {  	s2 =	sadd.s32 $0xFFFFFFFF, s2  }
0x1a8: {  	p1 =	sne.s32 s2, $0x0;
	s0 =	spop (v2sf)  }
.Ltmp26:
0x1a9: {  	p0 =	sgt.u32 s0, $0xFFFF0;
	(pc) =	sbr.rel @!p1 .LBB2_35-.Ltmp26, $4  }
0x1aa: {  	s4 =	simm.s32 $0xF238;
	s5 =	sand.u32 @!p0 $0xFFFF8, s0  }
0x1ab: {  	s6 =	simm.s32 $0x0;
	s0 =	sand.u32 @!p0 $0x7, s0;
	s5 =	sadd.s32 @!p0 s1, s5  }
0x1ac: {  	[hbm4b:s5+s0] =	stream.linear.scatter @!p0 [tilespmem:s4], [sflag:$0x5], $0x80, $0x38;
	[tilespmem:$0x1F6E8] =	vst v63  }
0x1ad: {  	s6 =	simm.s32 @!p0 $0x200;
	s5 =	simm.s32 $0xF219  }
.LBB2_34:
0x1ae: {  	v0 =	vld.msk [tilespmem:s5+$0x0], $0x1;
	s2 =	sadd.s32 $0xFFFFFFFF, s2;
	s3 =	sadd.s32 s3, s6  }
0x1af: {  	p0 =	sne.s32 s2, $0x0;
	_ =	sdelay $0x3  }
0x1b0: {  	(v2sf) =	vpush v0, $0x0;
	_ =	sdelay $0xe  }
.Ltmp27:
0x1b1: {  	s0 =	spop (v2sf);
	(pc) =	sbr.rel @p0 .LBB2_34-.Ltmp27, $4  }
0x1b2: {  	s6 =	simm.s32 $0x0;
	p1 =	sgt.u32 s0, $0xFFFF0  }
0x1b3: {  	s4 =	sadd.s32 $0x80, s4;
	s6 =	simm.s32 @!p1 $0x200;
	s7 =	sand.u32 @!p1 $0xFFFF8, s0  }
0x1b4: {  	s5 =	sadd.s32 $0x1, s5;
	s0 =	sand.u32 @!p1 $0x7, s0;
	s7 =	sadd.s32 @!p1 s1, s7  }
0x1b5: {  	[hbm4b:s7+s0] =	stream.linear.scatter @!p1 [tilespmem:s4], [sflag:$0x5], $0x80, $0x38;
	[tilespmem:$0x1F6E8] =	vst v63  }
.LBB2_35:
0x1b6: {  	s0 =	sadd.s32 s3, s6  }
0x1b7: {  	s3 =	sshrl.u32 s0, $0x2  }
.LBB2_36:
0x1b8: {  	s0 =	simm.s32 $0x5  }
0x1b9: {  	_ =	swait.ge [sflag:s0], s3  }
0x1ba: {  	s1 =	ssub.s32 $0x0, s3;
	[sflag:s0] =	ssyncset.done $0x0  }
0x1bb: {  	[sflag:s0] =	ssyncadd.s32 s1  }
0x1bc: {  	[sflag:s0] =	ssyncpa.u1 $0x1  }
0x1bd: {  	s30 =	simm.s32 $0x1;
	_ =	sfence  }
0x1be: {  	[sflag:s30] =	ssyncpa.u1 $0x1  }
0x1bf: {  	_ =	strace $0x9000004A  }
0x1c0: {  	[bflag:$0x2] =	sbarrier.arrive $0xFFFF  }
0x1c1: {  	s31 =	rddreg [dreg:$0x3]  }
0x1c2: {  	s0 =	sadd.s32 $0x100000, s31  }
0x1c3: {  	[sflag:s0] =	ssyncadd.tile.s32 $0x1;
	_ =	shalt  }
.Lfunc_end2:
_tile_overlayer_lowered:
.L_overlay_start_2:
0x1c4: {  	(tag) =	ssettag $0x2  }
0x1c5: {  	s0 =	rddreg [dreg:$0x0];
	s2 =	stileid.u32  }
0x1c6: {  	s1 =	rddreg [dreg:$0x1];
	p0 =	sne.s32 s2, $0x0  }
0x1c7: {  	s3 =	rddreg [dreg:$0x2];
	[bflag:$0x3] =	sbarrier.arrive $0xFFFF;
	s2 =	simm.s32 @!p0 $0x1C01  }
0x1c8: {  	[timem:s3], [sflag:s2] =	dma.local @!p0 [hbm:s0], s1  }
0x1c9: {  	s0 =	simm.s32 @!p0 $0x1  }
0x1ca: {  	_ =	swait.ge @!p0 [sflag:s0], s1  }
0x1cb: {  	s1 =	ssub.s32 @!p0 $0x0, s1;
	[sflag:s0] =	ssyncset.done @!p0 $0x0  }
0x1cc: {  	[sflag:s0] =	ssyncadd.s32 @!p0 s1  }
0x1cd: {  	[bflag:$0x3] =	sbarrier.arrive $0xFFFF  }
0x1ce: {  	_ =	shalt  }

</sc_bundles>
